<compile_context>
chip_gen: v7x
topology: tpu7x:2x2x1
jax: 0.10.2.dev20260603
libtpu: 0.0.44.dev20260713+nightly
codegen_flags: <defaults>
</compile_context>

<pallas_src>
import functools

import jax
import jax.numpy as jnp
from jax import lax
from jax.experimental import pallas as pl
from jax.experimental.pallas import tpu as pltpu
from jax.experimental.pallas import tpu_sc as plsc

N_RIGIDS = 262144
N_RES = 65536
C_FRAME = 128
C_S = 128
N_AA = 21


_BLK_A = 4096


def _proj_body(x_ref, m_ref, g_ref, bln_ref, w_ref, bs_ref, o_ref):
    x = x_ref[...]
    mu = jnp.mean(x, axis=1, keepdims=True)
    xc = x - mu
    var = jnp.mean(xc * xc, axis=1, keepdims=True)
    xn = xc * lax.rsqrt(var + 1e-5)
    xn = xn * g_ref[...] + bln_ref[...]
    y = jnp.dot(xn, w_ref[...], preferred_element_type=jnp.float32)
    o_ref[...] = (y + bs_ref[...]) * m_ref[...]


def _project(x, mask2d, gamma, beta, w, b):
    grid = (N_RIGIDS // _BLK_A,)
    return pl.pallas_call(
        _proj_body,
        grid=grid,
        in_specs=[
            pl.BlockSpec((_BLK_A, C_FRAME), lambda i: (i, 0)),
            pl.BlockSpec((_BLK_A, 1), lambda i: (i, 0)),
            pl.BlockSpec((1, C_FRAME), lambda i: (0, 0)),
            pl.BlockSpec((1, C_FRAME), lambda i: (0, 0)),
            pl.BlockSpec((C_FRAME, C_S), lambda i: (0, 0)),
            pl.BlockSpec((1, C_S), lambda i: (0, 0)),
        ],
        out_specs=pl.BlockSpec((_BLK_A, C_S), lambda i: (i, 0)),
        out_shape=jax.ShapeDtypeStruct((N_RIGIDS, C_S), jnp.float32),
    )(x, mask2d, gamma, beta, w, b)



_NC = 2
_NS = 16
_RANGES = 8
_RNG = N_RES // _RANGES
_RPC = _RANGES // _NC
_TPB = N_RIGIDS // _NS
_STRIPE = _RNG // _NS
_CH = 128
_DUMP = _RNG
_LROWS = (_TPB + _CH) // _CH + 1

_sc_mesh = plsc.VectorSubcoreMesh(
    core_axis_name="c", subcore_axis_name="s", num_cores=_NC, num_subcores=_NS
)


@functools.partial(
    pl.kernel,
    out_type=jax.ShapeDtypeStruct((N_RES, C_S), jnp.float32),
    mesh=_sc_mesh,
    compiler_params=pltpu.CompilerParams(needs_layout_passes=False),
    scratch_types=[
        pltpu.VMEM_SHARED((_RNG + 16, C_S), jnp.float32),
        pltpu.VMEM((_TPB // 2,), jnp.int32),
        pltpu.VMEM((_LROWS, _CH), jnp.int32),
        pltpu.VMEM((_LROWS, _CH), jnp.int32),
        pltpu.VMEM((_CH, C_S), jnp.float32),
        pltpu.SemaphoreType.DMA,
    ],
)
def _sc_scatter(val_hbm, idx_hbm, out0_hbm, seq_hbm, acc, idxv, lrig, lloc, rows, sem):
    c = lax.axis_index("c")
    s = lax.axis_index("s")
    tbase = s * _TPB
    lanes = jnp.arange(16, dtype=jnp.int32)
    zero_v = jnp.zeros((16,), jnp.int32)
    one_v = jnp.full((16,), 1, jnp.int32)
    rng_v = jnp.full((16,), _RNG, jnp.int32)
    sh7_v = jnp.full((16,), 7, jnp.int32)
    m127_v = jnp.full((16,), 127, jnp.int32)
    dump_v = jnp.full((16,), _DUMP, jnp.int32) + lax.broadcast(s, (16,))
    tbase_v = jnp.full((16,), tbase, jnp.int32)

    for ri in range(_RPC):
        r = ri * _NC + c
        rbase = r * _RNG
        rbase_v = jnp.full((16,), rbase, jnp.int32)
        pltpu.sync_copy(
            out0_hbm.at[pl.ds(rbase + s * _STRIPE, _STRIPE)],
            acc.at[pl.ds(s * _STRIPE, _STRIPE)],
        )
        plsc.subcore_barrier()

        cur = jnp.zeros((16,), jnp.int32)
        for h in range(2):
            hbase = tbase + h * (_TPB // 2)
            pltpu.sync_copy(idx_hbm.at[pl.ds(hbase, _TPB // 2)], idxv)
            hbase_v = tbase_v + jnp.full((16,), h * (_TPB // 2), jnp.int32)

            def scan_body(k, cur, hbase_v=hbase_v):
                iv = idxv[pl.ds(k * 16, 16)]
                loc = iv - rbase_v
                m = (loc >= zero_v) & (loc < rng_v)
                pos = cur + plsc.cumsum(m.astype(jnp.int32)) - one_v
                rid = hbase_v + jnp.full((16,), k * 16, jnp.int32) + lanes
                plsc.store_scatter(lrig, [pos >> sh7_v, pos & m127_v], rid, mask=m)
                plsc.store_scatter(lloc, [pos >> sh7_v, pos & m127_v], loc, mask=m)
                return cur + plsc.all_reduce_population_count(m)

            cur = lax.fori_loop(0, _TPB // 32, scan_body, cur)
        ncnt = jnp.max(cur)

        ncnt_v = jnp.full((16,), ncnt, jnp.int32)
        for j2 in range(_CH // 16):
            pp = ncnt_v + (lanes + jnp.full((16,), j2 * 16, jnp.int32))
            plsc.store_scatter(lloc, [pp >> sh7_v, pp & m127_v], dump_v)
            plsc.store_scatter(lrig, [pp >> sh7_v, pp & m127_v], tbase_v)

        nch = (ncnt + (_CH - 1)) >> 7

        def gs_body(j, carry):
            pltpu.async_copy(val_hbm.at[lrig.at[j]], rows, sem).wait()
            pltpu.sync_copy(rows, acc.at[lloc.at[j]], add=True)
            return carry

        lax.fori_loop(0, nch, gs_body, 0)
        plsc.subcore_barrier()

        pltpu.sync_copy(
            acc.at[pl.ds(s * _STRIPE, _STRIPE)],
            seq_hbm.at[pl.ds(rbase + s * _STRIPE, _STRIPE)],
        )



_BLK_C = 8192


def _head_body(x_ref, w_ref, b_ref, o_ref):
    o_ref[...] = (
        jnp.dot(x_ref[...], w_ref[...], preferred_element_type=jnp.float32)
        + b_ref[...]
    )


def _head(seq, w, b):
    grid = (N_RES // _BLK_C,)
    return pl.pallas_call(
        _head_body,
        grid=grid,
        in_specs=[
            pl.BlockSpec((_BLK_C, C_S), lambda i: (i, 0)),
            pl.BlockSpec((C_S, N_AA), lambda i: (0, 0)),
            pl.BlockSpec((1, N_AA), lambda i: (0, 0)),
        ],
        out_specs=pl.BlockSpec((_BLK_C, N_AA), lambda i: (i, 0)),
        out_shape=jax.ShapeDtypeStruct((N_RES, N_AA), jnp.float32),
    )(seq, w, b)




def kernel(rigids_embed_flat, rigids_to_res_idx, rigids_mask, out,
           ln_gamma, ln_beta, W_scatter, b_scatter, W_out, b_out):
    idx = rigids_to_res_idx.astype(jnp.int32)
    val = _project(
        rigids_embed_flat,
        rigids_mask.reshape(N_RIGIDS, 1),
        ln_gamma.reshape(1, C_FRAME),
        ln_beta.reshape(1, C_FRAME),
        W_scatter,
        b_scatter.reshape(1, C_S),
    )
    seq = _sc_scatter(val, idx, out)
    return _head(seq, W_out.astype(jnp.float32), b_out.reshape(1, N_AA))

# --- scband reference (transcript-rebuilt; emitter-appended) ---
"""Pipeline reference for scband-seq-predictor-31937376813586 (READ-ONLY COPY).

The authoritative reference and input builder live on the scoring server;
editing this copy changes nothing except your own understanding.
"""

import jax, jax.numpy as jnp
import numpy as np

N_RIGIDS = 262144
N_RES = 65536
C_FRAME = 128
C_S = 128
N_AA = 21


def setup_inputs(seed: int = 0) -> dict:
    key = jax.random.key(seed)
    ks = jax.random.split(key, 8)
    return {
        "rigids_embed_flat": jax.random.normal(ks[0], (N_RIGIDS, C_FRAME), dtype=jnp.float32),
        "rigids_to_res_idx": jax.random.randint(ks[1], (N_RIGIDS,), 0, N_RES, dtype=jnp.int64) if jax.config.jax_enable_x64 else jax.random.randint(ks[1], (N_RIGIDS,), 0, N_RES),
        "rigids_mask": jnp.ones((N_RIGIDS,), dtype=jnp.float32),
        "out": jnp.zeros((N_RES, C_S), dtype=jnp.float32),
        "ln_gamma": jnp.ones((C_FRAME,), dtype=jnp.float32),
        "ln_beta": jnp.zeros((C_FRAME,), dtype=jnp.float32),
        "W_scatter": jax.random.normal(ks[2], (C_FRAME, C_S), dtype=jnp.float32) * (1.0 / np.sqrt(C_FRAME)),
        "b_scatter": jnp.zeros((C_S,), dtype=jnp.float32),
        "W_out": jax.random.normal(ks[3], (C_S, N_AA), dtype=jnp.float32) * (1.0 / np.sqrt(C_S)),
        "b_out": jnp.zeros((N_AA,), dtype=jnp.float32),
    }


def reference(rigids_embed_flat, rigids_to_res_idx, rigids_mask, out,
              ln_gamma, ln_beta, W_scatter, b_scatter, W_out, b_out):
    # LayerNorm over c_frame
    mu = jnp.mean(rigids_embed_flat, axis=-1, keepdims=True)
    var = jnp.var(rigids_embed_flat, axis=-1, keepdims=True)
    x = (rigids_embed_flat - mu) / jnp.sqrt(var + 1e-5) * ln_gamma + ln_beta
    # ScatterUpdate: project c_frame -> c_s, mask, scatter-add into residue memory 'out'
    val = x @ W_scatter + b_scatter
    val = val * rigids_mask[:, None]
    seq_embed = out.at[rigids_to_res_idx].add(val)
    # Output head: c_s -> n_aa
    return seq_embed @ W_out + b_out

if __name__ == "__main__":
    import jax
    _d = setup_inputs()
    print(jax.jit(kernel)(*tuple(_d.values())))

</pallas_src>

<mosaic_0001>
#map = affine_map<(d0, d1) -> (0, 0)>
#map1 = affine_map<(d0, d1) -> (0)>
module attributes {stable_mosaic.version = 14 : i64} {
  func.func @_sc_scatter(%arg0: i32, %arg1: i32, %arg2: memref<262144x128xf32, #tpu.memory_space<hbm>>, %arg3: memref<262144xi32, #tpu.memory_space<hbm>>, %arg4: memref<65536x128xf32, #tpu.memory_space<hbm>>, %arg5: memref<65536x128xf32, #tpu.memory_space<hbm>>, %arg6: memref<8208x128xf32, #tpu.memory_space<vmem_shared>>, %arg7: memref<8192xi32, #tpu.memory_space<vmem>>, %arg8: memref<130x128xi32, #tpu.memory_space<vmem>>, %arg9: memref<130x128xi32, #tpu.memory_space<vmem>>, %arg10: memref<128x128xf32, #tpu.memory_space<vmem>>, %arg11: memref<!tpu.dma_semaphore, #tpu.memory_space<semaphore_mem>>) attributes {dimension_semantics = [#tpu.dimension_semantics<core_parallel>, #tpu.dimension_semantics<subcore_parallel>], iteration_bounds = array<i64: 2, 16>, scalar_prefetch = 0 : i64, scratch_operands = 6 : i64, tpu.core_type = #tpu.core_type<sc_vector_subcore>, window_params = [{transform_indices = #map}, {transform_indices = #map1}, {transform_indices = #map}, {transform_indices = #map}]} {
    %mul3A = arith.constant 16384 : i32
    %mul3A_0 = arith.muli %arg1, %mul3A : i32
    %iota3A = tpu.iota {dimensions = array<i32: 0>} : vector<16xi32>
    %broadcast_in_dim3A = arith.constant 0 : i32
    %broadcast_in_dim3A_1 = vector.broadcast %broadcast_in_dim3A : i32 to vector<16xi32>
    %broadcast_in_dim3A_2 = arith.constant 1 : i32
    %broadcast_in_dim3A_3 = vector.broadcast %broadcast_in_dim3A_2 : i32 to vector<16xi32>
    %broadcast_in_dim3A_4 = arith.constant 8192 : i32
    %broadcast_in_dim3A_5 = vector.broadcast %broadcast_in_dim3A_4 : i32 to vector<16xi32>
    %broadcast_in_dim3A_6 = arith.constant 7 : i32
    %broadcast_in_dim3A_7 = vector.broadcast %broadcast_in_dim3A_6 : i32 to vector<16xi32>
    %broadcast_in_dim3A_8 = arith.constant 127 : i32
    %broadcast_in_dim3A_9 = vector.broadcast %broadcast_in_dim3A_8 : i32 to vector<16xi32>
    %broadcast_in_dim3A_10 = arith.constant 8192 : i32
    %broadcast_in_dim3A_11 = vector.broadcast %broadcast_in_dim3A_10 : i32 to vector<16xi32>
    %broadcast_in_dim3A_12 = vector.broadcast %arg1 : i32 to vector<16xi32>
    %add3A = arith.addi %broadcast_in_dim3A_11, %broadcast_in_dim3A_12 : vector<16xi32>
    %broadcast_in_dim3A_13 = vector.broadcast %mul3A_0 : i32 to vector<16xi32>
    %add3A_14 = arith.constant 0 : i32
    %add3A_15 = arith.addi %add3A_14, %arg0 : i32
    %mul3A_16 = arith.constant 8192 : i32
    %mul3A_17 = arith.muli %add3A_15, %mul3A_16 : i32
    %broadcast_in_dim3A_18 = vector.broadcast %mul3A_17 : i32 to vector<16xi32>
    %mul3A_19 = arith.constant 512 : i32
    %mul3A_20 = arith.muli %arg1, %mul3A_19 : i32
    %add3A_21 = arith.addi %mul3A_17, %mul3A_20 : i32
    %mul3A_22 = arith.constant 512 : i32
    %mul3A_23 = arith.muli %arg1, %mul3A_22 : i32
    "tpu.region"() ({
      %run_scoped3A = tpu.sem_alloc : memref<!tpu.dma_semaphore, #tpu.memory_space<semaphore_mem>>
      %dma_start3A = arith.constant 0 : i32
      %dma_start3A_520 = tpu.memref_slice %arg6[%mul3A_23, %dma_start3A] : memref<8208x128xf32, #tpu.memory_space<vmem_shared>> -> memref<512x128xf32, #tpu.memory_space<vmem_shared>>
      %dma_start3A_521 = arith.constant 0 : i32
      %dma_start3A_522 = tpu.memref_slice %arg4[%add3A_21, %dma_start3A_521] : memref<65536x128xf32, #tpu.memory_space<hbm>> -> memref<512x128xf32, #tpu.memory_space<hbm>>
      tpu.enqueue_dma source(%dma_start3A_522 : memref<512x128xf32, #tpu.memory_space<hbm>>) target(%dma_start3A_520 : memref<512x128xf32, #tpu.memory_space<vmem_shared>>) target_semaphore(%run_scoped3A : memref<!tpu.dma_semaphore, #tpu.memory_space<semaphore_mem>>)
      %dma_wait3A = arith.constant 0 : i32
      %dma_wait3A_523 = tpu.memref_slice %arg6[%mul3A_23, %dma_wait3A] : memref<8208x128xf32, #tpu.memory_space<vmem_shared>> -> memref<512x128xf32, #tpu.memory_space<vmem_shared>>
      %dma_wait3A_524 = arith.constant 0 : i32
      %dma_wait3A_525 = tpu.memref_slice %arg4[%add3A_21, %dma_wait3A_524] : memref<65536x128xf32, #tpu.memory_space<hbm>> -> memref<512x128xf32, #tpu.memory_space<hbm>>
      tpu.wait_dma2 semaphore(%run_scoped3A : memref<!tpu.dma_semaphore, #tpu.memory_space<semaphore_mem>>) src(%dma_wait3A_525 : memref<512x128xf32, #tpu.memory_space<hbm>>) dst(%dma_wait3A_523 : memref<512x128xf32, #tpu.memory_space<vmem_shared>>)
      tpu.yield
    }) : () -> ()
    %barrier3A = arith.constant 0 : index
    tpu.barrier barrier_id(%barrier3A)
    %broadcast_in_dim3A_24 = arith.constant 0 : i32
    %broadcast_in_dim3A_25 = vector.broadcast %broadcast_in_dim3A_24 : i32 to vector<16xi32>
    %add3A_26 = arith.constant 0 : i32
    %add3A_27 = arith.addi %mul3A_0, %add3A_26 : i32
    "tpu.region"() ({
      %run_scoped3A = tpu.sem_alloc : memref<!tpu.dma_semaphore, #tpu.memory_space<semaphore_mem>>
      %dma_start3A = tpu.memref_slice %arg3[%add3A_27] : memref<262144xi32, #tpu.memory_space<hbm>> -> memref<8192xi32, #tpu.memory_space<hbm>>
      %dma_start3A_520 = tpu.memref_slice %arg3[%add3A_27] : memref<262144xi32, #tpu.memory_space<hbm>> -> memref<8192xi32, #tpu.memory_space<hbm>>
      tpu.enqueue_dma source(%dma_start3A_520 : memref<8192xi32, #tpu.memory_space<hbm>>) target(%arg7 : memref<8192xi32, #tpu.memory_space<vmem>>) target_semaphore(%run_scoped3A : memref<!tpu.dma_semaphore, #tpu.memory_space<semaphore_mem>>)
      %dma_wait3A = tpu.memref_slice %arg3[%add3A_27] : memref<262144xi32, #tpu.memory_space<hbm>> -> memref<8192xi32, #tpu.memory_space<hbm>>
      %dma_wait3A_521 = tpu.memref_slice %arg3[%add3A_27] : memref<262144xi32, #tpu.memory_space<hbm>> -> memref<8192xi32, #tpu.memory_space<hbm>>
      tpu.wait_dma2 semaphore(%run_scoped3A : memref<!tpu.dma_semaphore, #tpu.memory_space<semaphore_mem>>) src(%dma_wait3A_521 : memref<8192xi32, #tpu.memory_space<hbm>>) dst(%arg7 : memref<8192xi32, #tpu.memory_space<vmem>>)
      tpu.yield
    }) : () -> ()
    %broadcast_in_dim3A_28 = arith.constant 0 : i32
    %broadcast_in_dim3A_29 = vector.broadcast %broadcast_in_dim3A_28 : i32 to vector<16xi32>
    %add3A_30 = arith.addi %broadcast_in_dim3A_13, %broadcast_in_dim3A_29 : vector<16xi32>
    %scan3A = arith.constant 0 : i32
    %scan3A_31 = arith.constant 512 : i32
    %scan3A_32 = arith.addi %scan3A, %scan3A_31 : i32
    %scan3A_33 = arith.constant 1 : i32
    %scan3A_34 = scf.for %scan3A_520 = %scan3A to %scan3A_32 step %scan3A_33 iter_args(%scan3A_521 = %broadcast_in_dim3A_25) -> (vector<16xi32>)  : i32 {
      %mul3A_522 = arith.constant 16 : i32
      %mul3A_523 = arith.muli %scan3A_520, %mul3A_522 : i32
      %get3A = arith.index_cast %mul3A_523 : i32 to index
      %get3A_524 = tpu.vector_load %arg7[%get3A] {strides = array<i32>} : memref<8192xi32, #tpu.memory_space<vmem>>, vector<16xi32>,
      %sub3A = arith.subi %get3A_524, %broadcast_in_dim3A_18 : vector<16xi32>
      %ge3A = arith.cmpi sge, %sub3A, %broadcast_in_dim3A_1 : vector<16xi32>
      %lt3A = arith.cmpi slt, %sub3A, %broadcast_in_dim3A_5 : vector<16xi32>
      %and3A_525 = arith.andi %ge3A, %lt3A : vector<16xi1>
      %convert_element_type3A = arith.extui %and3A_525 : vector<16xi1> to vector<16xi32>
      %broadcast_in_dim3A_526 = arith.constant true
      %broadcast_in_dim3A_527 = vector.broadcast %broadcast_in_dim3A_526 : i1 to vector<16xi1>
      %masked_cumsum3A = tpu.scan <sum>, %convert_element_type3A masked %broadcast_in_dim3A_527 : vector<16xi32>, vector<16xi1> -> vector<16xi32>
      %add3A_528 = arith.addi %scan3A_521, %masked_cumsum3A : vector<16xi32>
      %sub3A_529 = arith.subi %add3A_528, %broadcast_in_dim3A_3 : vector<16xi32>
      %mul3A_530 = arith.constant 16 : i32
      %mul3A_531 = arith.muli %scan3A_520, %mul3A_530 : i32
      %broadcast_in_dim3A_532 = vector.broadcast %mul3A_531 : i32 to vector<16xi32>
      %add3A_533 = arith.addi %add3A_30, %broadcast_in_dim3A_532 : vector<16xi32>
      %add3A_534 = arith.addi %add3A_533, %iota3A : vector<16xi32>
      %shift_right_arithmetic3A_535 = arith.shrsi %sub3A_529, %broadcast_in_dim3A_7 : vector<16xi32>
      %and3A_536 = arith.andi %sub3A_529, %broadcast_in_dim3A_9 : vector<16xi32>
      tpu.vector_store_idx %arg8[%shift_right_arithmetic3A_535, %and3A_536], %add3A_534 masked %and3A_525 : memref<130x128xi32, #tpu.memory_space<vmem>>[vector<16xi32>, vector<16xi32>], vector<16xi32>, vector<16xi1>
      %shift_right_arithmetic3A_537 = arith.shrsi %sub3A_529, %broadcast_in_dim3A_7 : vector<16xi32>
      %and3A_538 = arith.andi %sub3A_529, %broadcast_in_dim3A_9 : vector<16xi32>
      tpu.vector_store_idx %arg9[%shift_right_arithmetic3A_537, %and3A_538], %sub3A masked %and3A_525 : memref<130x128xi32, #tpu.memory_space<vmem>>[vector<16xi32>, vector<16xi32>], vector<16xi32>, vector<16xi1>
      %all_reduce_population_count3A = tpu.all_reduce %and3A_525 {dim = 0 : i64, kind = #tpu.reduction_kind<sum>} : vector<16xi1> -> vector<16xi32>
      %add3A_539 = arith.addi %scan3A_521, %all_reduce_population_count3A : vector<16xi32>
      scf.yield %add3A_539 : vector<16xi32>
    }
    %scan3A_35 = arith.constant 512 : i32
    %add3A_36 = arith.constant 8192 : i32
    %add3A_37 = arith.addi %mul3A_0, %add3A_36 : i32
    "tpu.region"() ({
      %run_scoped3A = tpu.sem_alloc : memref<!tpu.dma_semaphore, #tpu.memory_space<semaphore_mem>>
      %dma_start3A = tpu.memref_slice %arg3[%add3A_37] : memref<262144xi32, #tpu.memory_space<hbm>> -> memref<8192xi32, #tpu.memory_space<hbm>>
      %dma_start3A_520 = tpu.memref_slice %arg3[%add3A_37] : memref<262144xi32, #tpu.memory_space<hbm>> -> memref<8192xi32, #tpu.memory_space<hbm>>
      tpu.enqueue_dma source(%dma_start3A_520 : memref<8192xi32, #tpu.memory_space<hbm>>) target(%arg7 : memref<8192xi32, #tpu.memory_space<vmem>>) target_semaphore(%run_scoped3A : memref<!tpu.dma_semaphore, #tpu.memory_space<semaphore_mem>>)
      %dma_wait3A = tpu.memref_slice %arg3[%add3A_37] : memref<262144xi32, #tpu.memory_space<hbm>> -> memref<8192xi32, #tpu.memory_space<hbm>>
      %dma_wait3A_521 = tpu.memref_slice %arg3[%add3A_37] : memref<262144xi32, #tpu.memory_space<hbm>> -> memref<8192xi32, #tpu.memory_space<hbm>>
      tpu.wait_dma2 semaphore(%run_scoped3A : memref<!tpu.dma_semaphore, #tpu.memory_space<semaphore_mem>>) src(%dma_wait3A_521 : memref<8192xi32, #tpu.memory_space<hbm>>) dst(%arg7 : memref<8192xi32, #tpu.memory_space<vmem>>)
      tpu.yield
    }) : () -> ()
    %broadcast_in_dim3A_38 = arith.constant 8192 : i32
    %broadcast_in_dim3A_39 = vector.broadcast %broadcast_in_dim3A_38 : i32 to vector<16xi32>
    %add3A_40 = arith.addi %broadcast_in_dim3A_13, %broadcast_in_dim3A_39 : vector<16xi32>
    %scan3A_41 = arith.constant 0 : i32
    %scan3A_42 = arith.constant 512 : i32
    %scan3A_43 = arith.addi %scan3A_41, %scan3A_42 : i32
    %scan3A_44 = arith.constant 1 : i32
    %scan3A_45 = scf.for %scan3A_520 = %scan3A_41 to %scan3A_43 step %scan3A_44 iter_args(%scan3A_521 = %scan3A_34) -> (vector<16xi32>)  : i32 {
      %mul3A_522 = arith.constant 16 : i32
      %mul3A_523 = arith.muli %scan3A_520, %mul3A_522 : i32
      %get3A = arith.index_cast %mul3A_523 : i32 to index
      %get3A_524 = tpu.vector_load %arg7[%get3A] {strides = array<i32>} : memref<8192xi32, #tpu.memory_space<vmem>>, vector<16xi32>,
      %sub3A = arith.subi %get3A_524, %broadcast_in_dim3A_18 : vector<16xi32>
      %ge3A = arith.cmpi sge, %sub3A, %broadcast_in_dim3A_1 : vector<16xi32>
      %lt3A = arith.cmpi slt, %sub3A, %broadcast_in_dim3A_5 : vector<16xi32>
      %and3A_525 = arith.andi %ge3A, %lt3A : vector<16xi1>
      %convert_element_type3A = arith.extui %and3A_525 : vector<16xi1> to vector<16xi32>
      %broadcast_in_dim3A_526 = arith.constant true
      %broadcast_in_dim3A_527 = vector.broadcast %broadcast_in_dim3A_526 : i1 to vector<16xi1>
      %masked_cumsum3A = tpu.scan <sum>, %convert_element_type3A masked %broadcast_in_dim3A_527 : vector<16xi32>, vector<16xi1> -> vector<16xi32>
      %add3A_528 = arith.addi %scan3A_521, %masked_cumsum3A : vector<16xi32>
      %sub3A_529 = arith.subi %add3A_528, %broadcast_in_dim3A_3 : vector<16xi32>
      %mul3A_530 = arith.constant 16 : i32
      %mul3A_531 = arith.muli %scan3A_520, %mul3A_530 : i32
      %broadcast_in_dim3A_532 = vector.broadcast %mul3A_531 : i32 to vector<16xi32>
      %add3A_533 = arith.addi %add3A_40, %broadcast_in_dim3A_532 : vector<16xi32>
      %add3A_534 = arith.addi %add3A_533, %iota3A : vector<16xi32>
      %shift_right_arithmetic3A_535 = arith.shrsi %sub3A_529, %broadcast_in_dim3A_7 : vector<16xi32>
      %and3A_536 = arith.andi %sub3A_529, %broadcast_in_dim3A_9 : vector<16xi32>
      tpu.vector_store_idx %arg8[%shift_right_arithmetic3A_535, %and3A_536], %add3A_534 masked %and3A_525 : memref<130x128xi32, #tpu.memory_space<vmem>>[vector<16xi32>, vector<16xi32>], vector<16xi32>, vector<16xi1>
      %shift_right_arithmetic3A_537 = arith.shrsi %sub3A_529, %broadcast_in_dim3A_7 : vector<16xi32>
      %and3A_538 = arith.andi %sub3A_529, %broadcast_in_dim3A_9 : vector<16xi32>
      tpu.vector_store_idx %arg9[%shift_right_arithmetic3A_537, %and3A_538], %sub3A masked %and3A_525 : memref<130x128xi32, #tpu.memory_space<vmem>>[vector<16xi32>, vector<16xi32>], vector<16xi32>, vector<16xi1>
      %all_reduce_population_count3A = tpu.all_reduce %and3A_525 {dim = 0 : i64, kind = #tpu.reduction_kind<sum>} : vector<16xi1> -> vector<16xi32>
      %add3A_539 = arith.addi %scan3A_521, %all_reduce_population_count3A : vector<16xi32>
      scf.yield %add3A_539 : vector<16xi32>
    }
    %scan3A_46 = arith.constant 512 : i32
    %reduce_max3A = arith.constant true
    %reduce_max3A_47 = vector.broadcast %reduce_max3A : i1 to vector<16xi1>
    %reduce_max3A_48 = arith.constant -2147483648 : i32
    %reduce_max3A_49 = vector.broadcast %reduce_max3A_48 : i32 to vector<16xi32>
    %reduce_max3A_50 = arith.xori %scan3A_45, %reduce_max3A_49 : vector<16xi32>
    %reduce_max3A_51 = tpu.scan <max>, %reduce_max3A_50 masked %reduce_max3A_47 : vector<16xi32>, vector<16xi1> -> vector<16xi32>
    %reduce_max3A_52 = arith.xori %reduce_max3A_51, %reduce_max3A_49 : vector<16xi32>
    %reduce_max3A_53 = vector.extract %reduce_max3A_52[15] : i32 from vector<16xi32>
    %broadcast_in_dim3A_54 = vector.broadcast %reduce_max3A_53 : i32 to vector<16xi32>
    %broadcast_in_dim3A_55 = arith.constant 0 : i32
    %broadcast_in_dim3A_56 = vector.broadcast %broadcast_in_dim3A_55 : i32 to vector<16xi32>
    %add3A_57 = arith.addi %iota3A, %broadcast_in_dim3A_56 : vector<16xi32>
    %add3A_58 = arith.addi %broadcast_in_dim3A_54, %add3A_57 : vector<16xi32>
    %shift_right_arithmetic3A = arith.shrsi %add3A_58, %broadcast_in_dim3A_7 : vector<16xi32>
    %and3A = arith.andi %add3A_58, %broadcast_in_dim3A_9 : vector<16xi32>
    tpu.vector_store_idx %arg9[%shift_right_arithmetic3A, %and3A], %add3A : memref<130x128xi32, #tpu.memory_space<vmem>>[vector<16xi32>, vector<16xi32>], vector<16xi32>,
    %shift_right_arithmetic3A_59 = arith.shrsi %add3A_58, %broadcast_in_dim3A_7 : vector<16xi32>
    %and3A_60 = arith.andi %add3A_58, %broadcast_in_dim3A_9 : vector<16xi32>
    tpu.vector_store_idx %arg8[%shift_right_arithmetic3A_59, %and3A_60], %broadcast_in_dim3A_13 : memref<130x128xi32, #tpu.memory_space<vmem>>[vector<16xi32>, vector<16xi32>], vector<16xi32>,
    %broadcast_in_dim3A_61 = arith.constant 16 : i32
    %broadcast_in_dim3A_62 = vector.broadcast %broadcast_in_dim3A_61 : i32 to vector<16xi32>
    %add3A_63 = arith.addi %iota3A, %broadcast_in_dim3A_62 : vector<16xi32>
    %add3A_64 = arith.addi %broadcast_in_dim3A_54, %add3A_63 : vector<16xi32>
    %shift_right_arithmetic3A_65 = arith.shrsi %add3A_64, %broadcast_in_dim3A_7 : vector<16xi32>
    %and3A_66 = arith.andi %add3A_64, %broadcast_in_dim3A_9 : vector<16xi32>
    tpu.vector_store_idx %arg9[%shift_right_arithmetic3A_65, %and3A_66], %add3A : memref<130x128xi32, #tpu.memory_space<vmem>>[vector<16xi32>, vector<16xi32>], vector<16xi32>,
    %shift_right_arithmetic3A_67 = arith.shrsi %add3A_64, %broadcast_in_dim3A_7 : vector<16xi32>
    %and3A_68 = arith.andi %add3A_64, %broadcast_in_dim3A_9 : vector<16xi32>
    tpu.vector_store_idx %arg8[%shift_right_arithmetic3A_67, %and3A_68], %broadcast_in_dim3A_13 : memref<130x128xi32, #tpu.memory_space<vmem>>[vector<16xi32>, vector<16xi32>], vector<16xi32>,
    %broadcast_in_dim3A_69 = arith.constant 32 : i32
    %broadcast_in_dim3A_70 = vector.broadcast %broadcast_in_dim3A_69 : i32 to vector<16xi32>
    %add3A_71 = arith.addi %iota3A, %broadcast_in_dim3A_70 : vector<16xi32>
    %add3A_72 = arith.addi %broadcast_in_dim3A_54, %add3A_71 : vector<16xi32>
    %shift_right_arithmetic3A_73 = arith.shrsi %add3A_72, %broadcast_in_dim3A_7 : vector<16xi32>
    %and3A_74 = arith.andi %add3A_72, %broadcast_in_dim3A_9 : vector<16xi32>
    tpu.vector_store_idx %arg9[%shift_right_arithmetic3A_73, %and3A_74], %add3A : memref<130x128xi32, #tpu.memory_space<vmem>>[vector<16xi32>, vector<16xi32>], vector<16xi32>,
    %shift_right_arithmetic3A_75 = arith.shrsi %add3A_72, %broadcast_in_dim3A_7 : vector<16xi32>
    %and3A_76 = arith.andi %add3A_72, %broadcast_in_dim3A_9 : vector<16xi32>
    tpu.vector_store_idx %arg8[%shift_right_arithmetic3A_75, %and3A_76], %broadcast_in_dim3A_13 : memref<130x128xi32, #tpu.memory_space<vmem>>[vector<16xi32>, vector<16xi32>], vector<16xi32>,
    %broadcast_in_dim3A_77 = arith.constant 48 : i32
    %broadcast_in_dim3A_78 = vector.broadcast %broadcast_in_dim3A_77 : i32 to vector<16xi32>
    %add3A_79 = arith.addi %iota3A, %broadcast_in_dim3A_78 : vector<16xi32>
    %add3A_80 = arith.addi %broadcast_in_dim3A_54, %add3A_79 : vector<16xi32>
    %shift_right_arithmetic3A_81 = arith.shrsi %add3A_80, %broadcast_in_dim3A_7 : vector<16xi32>
    %and3A_82 = arith.andi %add3A_80, %broadcast_in_dim3A_9 : vector<16xi32>
    tpu.vector_store_idx %arg9[%shift_right_arithmetic3A_81, %and3A_82], %add3A : memref<130x128xi32, #tpu.memory_space<vmem>>[vector<16xi32>, vector<16xi32>], vector<16xi32>,
    %shift_right_arithmetic3A_83 = arith.shrsi %add3A_80, %broadcast_in_dim3A_7 : vector<16xi32>
    %and3A_84 = arith.andi %add3A_80, %broadcast_in_dim3A_9 : vector<16xi32>
    tpu.vector_store_idx %arg8[%shift_right_arithmetic3A_83, %and3A_84], %broadcast_in_dim3A_13 : memref<130x128xi32, #tpu.memory_space<vmem>>[vector<16xi32>, vector<16xi32>], vector<16xi32>,
    %broadcast_in_dim3A_85 = arith.constant 64 : i32
    %broadcast_in_dim3A_86 = vector.broadcast %broadcast_in_dim3A_85 : i32 to vector<16xi32>
    %add3A_87 = arith.addi %iota3A, %broadcast_in_dim3A_86 : vector<16xi32>
    %add3A_88 = arith.addi %broadcast_in_dim3A_54, %add3A_87 : vector<16xi32>
    %shift_right_arithmetic3A_89 = arith.shrsi %add3A_88, %broadcast_in_dim3A_7 : vector<16xi32>
    %and3A_90 = arith.andi %add3A_88, %broadcast_in_dim3A_9 : vector<16xi32>
    tpu.vector_store_idx %arg9[%shift_right_arithmetic3A_89, %and3A_90], %add3A : memref<130x128xi32, #tpu.memory_space<vmem>>[vector<16xi32>, vector<16xi32>], vector<16xi32>,
    %shift_right_arithmetic3A_91 = arith.shrsi %add3A_88, %broadcast_in_dim3A_7 : vector<16xi32>
    %and3A_92 = arith.andi %add3A_88, %broadcast_in_dim3A_9 : vector<16xi32>
    tpu.vector_store_idx %arg8[%shift_right_arithmetic3A_91, %and3A_92], %broadcast_in_dim3A_13 : memref<130x128xi32, #tpu.memory_space<vmem>>[vector<16xi32>, vector<16xi32>], vector<16xi32>,
    %broadcast_in_dim3A_93 = arith.constant 80 : i32
    %broadcast_in_dim3A_94 = vector.broadcast %broadcast_in_dim3A_93 : i32 to vector<16xi32>
    %add3A_95 = arith.addi %iota3A, %broadcast_in_dim3A_94 : vector<16xi32>
    %add3A_96 = arith.addi %broadcast_in_dim3A_54, %add3A_95 : vector<16xi32>
    %shift_right_arithmetic3A_97 = arith.shrsi %add3A_96, %broadcast_in_dim3A_7 : vector<16xi32>
    %and3A_98 = arith.andi %add3A_96, %broadcast_in_dim3A_9 : vector<16xi32>
    tpu.vector_store_idx %arg9[%shift_right_arithmetic3A_97, %and3A_98], %add3A : memref<130x128xi32, #tpu.memory_space<vmem>>[vector<16xi32>, vector<16xi32>], vector<16xi32>,
    %shift_right_arithmetic3A_99 = arith.shrsi %add3A_96, %broadcast_in_dim3A_7 : vector<16xi32>
    %and3A_100 = arith.andi %add3A_96, %broadcast_in_dim3A_9 : vector<16xi32>
    tpu.vector_store_idx %arg8[%shift_right_arithmetic3A_99, %and3A_100], %broadcast_in_dim3A_13 : memref<130x128xi32, #tpu.memory_space<vmem>>[vector<16xi32>, vector<16xi32>], vector<16xi32>,
    %broadcast_in_dim3A_101 = arith.constant 96 : i32
    %broadcast_in_dim3A_102 = vector.broadcast %broadcast_in_dim3A_101 : i32 to vector<16xi32>
    %add3A_103 = arith.addi %iota3A, %broadcast_in_dim3A_102 : vector<16xi32>
    %add3A_104 = arith.addi %broadcast_in_dim3A_54, %add3A_103 : vector<16xi32>
    %shift_right_arithmetic3A_105 = arith.shrsi %add3A_104, %broadcast_in_dim3A_7 : vector<16xi32>
    %and3A_106 = arith.andi %add3A_104, %broadcast_in_dim3A_9 : vector<16xi32>
    tpu.vector_store_idx %arg9[%shift_right_arithmetic3A_105, %and3A_106], %add3A : memref<130x128xi32, #tpu.memory_space<vmem>>[vector<16xi32>, vector<16xi32>], vector<16xi32>,
    %shift_right_arithmetic3A_107 = arith.shrsi %add3A_104, %broadcast_in_dim3A_7 : vector<16xi32>
    %and3A_108 = arith.andi %add3A_104, %broadcast_in_dim3A_9 : vector<16xi32>
    tpu.vector_store_idx %arg8[%shift_right_arithmetic3A_107, %and3A_108], %broadcast_in_dim3A_13 : memref<130x128xi32, #tpu.memory_space<vmem>>[vector<16xi32>, vector<16xi32>], vector<16xi32>,
    %broadcast_in_dim3A_109 = arith.constant 112 : i32
    %broadcast_in_dim3A_110 = vector.broadcast %broadcast_in_dim3A_109 : i32 to vector<16xi32>
    %add3A_111 = arith.addi %iota3A, %broadcast_in_dim3A_110 : vector<16xi32>
    %add3A_112 = arith.addi %broadcast_in_dim3A_54, %add3A_111 : vector<16xi32>
    %shift_right_arithmetic3A_113 = arith.shrsi %add3A_112, %broadcast_in_dim3A_7 : vector<16xi32>
    %and3A_114 = arith.andi %add3A_112, %broadcast_in_dim3A_9 : vector<16xi32>
    tpu.vector_store_idx %arg9[%shift_right_arithmetic3A_113, %and3A_114], %add3A : memref<130x128xi32, #tpu.memory_space<vmem>>[vector<16xi32>, vector<16xi32>], vector<16xi32>,
    %shift_right_arithmetic3A_115 = arith.shrsi %add3A_112, %broadcast_in_dim3A_7 : vector<16xi32>
    %and3A_116 = arith.andi %add3A_112, %broadcast_in_dim3A_9 : vector<16xi32>
    tpu.vector_store_idx %arg8[%shift_right_arithmetic3A_115, %and3A_116], %broadcast_in_dim3A_13 : memref<130x128xi32, #tpu.memory_space<vmem>>[vector<16xi32>, vector<16xi32>], vector<16xi32>,
    %add3A_117 = arith.constant 127 : i32
    %add3A_118 = arith.addi %reduce_max3A_53, %add3A_117 : i32
    %shift_right_arithmetic3A_119 = arith.constant 7 : i32
    %shift_right_arithmetic3A_120 = arith.shrsi %add3A_118, %shift_right_arithmetic3A_119 : i32
    %while3A = arith.constant 0 : i32
    %while3A_121 = arith.constant 0 : i32
    %while3A_122 = arith.subi %shift_right_arithmetic3A_120, %while3A_121 : i32
    %while3A_123 = arith.addi %while3A_121, %while3A_122 : i32
    %while3A_124 = arith.constant 1 : i32
    %while3A_125 = arith.divsi %while3A_122, %while3A_124 : i32
    %while3A_126 = arith.muli %while3A_125, %while3A_124 : i32
    %while3A_127 = arith.addi %while3A_121, %while3A_126 : i32
    %while3A_128 = arith.constant 1 : i32
    scf.for %while3A_520 = %while3A_121 to %while3A_127 step %while3A_128  : i32 {
      %dma_start3A = arith.constant 0 : i32
      %dma_start3A_521 = tpu.memref_slice %arg8[%while3A_520, %dma_start3A] : memref<130x128xi32, #tpu.memory_space<vmem>> -> memref<1x128xi32, #tpu.memory_space<vmem>>
      %dma_start3A_522 = tpu.memref_squeeze %dma_start3A_521 : memref<1x128xi32, #tpu.memory_space<vmem>> -> memref<128xi32, #tpu.memory_space<vmem>>
      %dma_start3A_523 = arith.constant 0 : i32
      %dma_start3A_524 = arith.constant 0 : i32
      %dma_start3A_525 = tpu.memref_slice %arg2[%dma_start3A_523, %dma_start3A_524] : memref<262144x128xf32, #tpu.memory_space<hbm>> -> memref<262144x128xf32, #tpu.memory_space<hbm>>
      tpu.enqueue_indirect_dma source(%dma_start3A_525 : memref<262144x128xf32, #tpu.memory_space<hbm>>) target(%arg10 : memref<128x128xf32, #tpu.memory_space<vmem>>) offsets(%dma_start3A_522 : memref<128xi32, #tpu.memory_space<vmem>>) semaphore(%arg11 : memref<!tpu.dma_semaphore, #tpu.memory_space<semaphore_mem>>)
      %dma_wait3A = arith.constant 0 : i32
      %dma_wait3A_526 = tpu.memref_slice %arg8[%while3A_520, %dma_wait3A] : memref<130x128xi32, #tpu.memory_space<vmem>> -> memref<1x128xi32, #tpu.memory_space<vmem>>
      %dma_wait3A_527 = tpu.memref_squeeze %dma_wait3A_526 : memref<1x128xi32, #tpu.memory_space<vmem>> -> memref<128xi32, #tpu.memory_space<vmem>>
      %dma_wait3A_528 = arith.constant 0 : i32
      %dma_wait3A_529 = arith.constant 0 : i32
      %dma_wait3A_530 = tpu.memref_slice %arg2[%dma_wait3A_528, %dma_wait3A_529] : memref<262144x128xf32, #tpu.memory_space<hbm>> -> memref<262144x128xf32, #tpu.memory_space<hbm>>
      tpu.wait_indirect_dma semaphore(%arg11 : memref<!tpu.dma_semaphore, #tpu.memory_space<semaphore_mem>>) src(%dma_wait3A_530 : memref<262144x128xf32, #tpu.memory_space<hbm>>) dst(%arg10 : memref<128x128xf32, #tpu.memory_space<vmem>>)
      "tpu.region"() ({
        %run_scoped3A = tpu.sem_alloc : memref<!tpu.dma_semaphore, #tpu.memory_space<semaphore_mem>>
        %dma_start3A_531 = arith.constant 0 : i32
        %dma_start3A_532 = tpu.memref_slice %arg9[%while3A_520, %dma_start3A_531] : memref<130x128xi32, #tpu.memory_space<vmem>> -> memref<1x128xi32, #tpu.memory_space<vmem>>
        %dma_start3A_533 = tpu.memref_squeeze %dma_start3A_532 : memref<1x128xi32, #tpu.memory_space<vmem>> -> memref<128xi32, #tpu.memory_space<vmem>>
        %dma_start3A_534 = arith.constant 0 : i32
        %dma_start3A_535 = arith.constant 0 : i32
        %dma_start3A_536 = tpu.memref_slice %arg6[%dma_start3A_534, %dma_start3A_535] : memref<8208x128xf32, #tpu.memory_space<vmem_shared>> -> memref<8208x128xf32, #tpu.memory_space<vmem_shared>>
        tpu.enqueue_indirect_dma source(%arg10 : memref<128x128xf32, #tpu.memory_space<vmem>>) target(%dma_start3A_536 : memref<8208x128xf32, #tpu.memory_space<vmem_shared>>) offsets(%dma_start3A_533 : memref<128xi32, #tpu.memory_space<vmem>>) semaphore(%run_scoped3A : memref<!tpu.dma_semaphore, #tpu.memory_space<semaphore_mem>>) {add = true}
        %dma_wait3A_537 = arith.constant 0 : i32
        %dma_wait3A_538 = tpu.memref_slice %arg9[%while3A_520, %dma_wait3A_537] : memref<130x128xi32, #tpu.memory_space<vmem>> -> memref<1x128xi32, #tpu.memory_space<vmem>>
        %dma_wait3A_539 = tpu.memref_squeeze %dma_wait3A_538 : memref<1x128xi32, #tpu.memory_space<vmem>> -> memref<128xi32, #tpu.memory_space<vmem>>
        %dma_wait3A_540 = arith.constant 0 : i32
        %dma_wait3A_541 = arith.constant 0 : i32
        %dma_wait3A_542 = tpu.memref_slice %arg6[%dma_wait3A_540, %dma_wait3A_541] : memref<8208x128xf32, #tpu.memory_space<vmem_shared>> -> memref<8208x128xf32, #tpu.memory_space<vmem_shared>>
        tpu.wait_indirect_dma semaphore(%run_scoped3A : memref<!tpu.dma_semaphore, #tpu.memory_space<semaphore_mem>>) src(%arg10 : memref<128x128xf32, #tpu.memory_space<vmem>>) dst(%dma_wait3A_542 : memref<8208x128xf32, #tpu.memory_space<vmem_shared>>)
        tpu.yield
      }) : () -> ()
    }
    %while3A_129 = arith.constant 1 : i32
    scf.for %while3A_520 = %while3A_127 to %while3A_123 step %while3A_129  : i32 {
      %dma_start3A = arith.constant 0 : i32
      %dma_start3A_521 = tpu.memref_slice %arg8[%while3A_520, %dma_start3A] : memref<130x128xi32, #tpu.memory_space<vmem>> -> memref<1x128xi32, #tpu.memory_space<vmem>>
      %dma_start3A_522 = tpu.memref_squeeze %dma_start3A_521 : memref<1x128xi32, #tpu.memory_space<vmem>> -> memref<128xi32, #tpu.memory_space<vmem>>
      %dma_start3A_523 = arith.constant 0 : i32
      %dma_start3A_524 = arith.constant 0 : i32
      %dma_start3A_525 = tpu.memref_slice %arg2[%dma_start3A_523, %dma_start3A_524] : memref<262144x128xf32, #tpu.memory_space<hbm>> -> memref<262144x128xf32, #tpu.memory_space<hbm>>
      tpu.enqueue_indirect_dma source(%dma_start3A_525 : memref<262144x128xf32, #tpu.memory_space<hbm>>) target(%arg10 : memref<128x128xf32, #tpu.memory_space<vmem>>) offsets(%dma_start3A_522 : memref<128xi32, #tpu.memory_space<vmem>>) semaphore(%arg11 : memref<!tpu.dma_semaphore, #tpu.memory_space<semaphore_mem>>)
      %dma_wait3A = arith.constant 0 : i32
      %dma_wait3A_526 = tpu.memref_slice %arg8[%while3A_520, %dma_wait3A] : memref<130x128xi32, #tpu.memory_space<vmem>> -> memref<1x128xi32, #tpu.memory_space<vmem>>
      %dma_wait3A_527 = tpu.memref_squeeze %dma_wait3A_526 : memref<1x128xi32, #tpu.memory_space<vmem>> -> memref<128xi32, #tpu.memory_space<vmem>>
      %dma_wait3A_528 = arith.constant 0 : i32
      %dma_wait3A_529 = arith.constant 0 : i32
      %dma_wait3A_530 = tpu.memref_slice %arg2[%dma_wait3A_528, %dma_wait3A_529] : memref<262144x128xf32, #tpu.memory_space<hbm>> -> memref<262144x128xf32, #tpu.memory_space<hbm>>
      tpu.wait_indirect_dma semaphore(%arg11 : memref<!tpu.dma_semaphore, #tpu.memory_space<semaphore_mem>>) src(%dma_wait3A_530 : memref<262144x128xf32, #tpu.memory_space<hbm>>) dst(%arg10 : memref<128x128xf32, #tpu.memory_space<vmem>>)
      "tpu.region"() ({
        %run_scoped3A = tpu.sem_alloc : memref<!tpu.dma_semaphore, #tpu.memory_space<semaphore_mem>>
        %dma_start3A_531 = arith.constant 0 : i32
        %dma_start3A_532 = tpu.memref_slice %arg9[%while3A_520, %dma_start3A_531] : memref<130x128xi32, #tpu.memory_space<vmem>> -> memref<1x128xi32, #tpu.memory_space<vmem>>
        %dma_start3A_533 = tpu.memref_squeeze %dma_start3A_532 : memref<1x128xi32, #tpu.memory_space<vmem>> -> memref<128xi32, #tpu.memory_space<vmem>>
        %dma_start3A_534 = arith.constant 0 : i32
        %dma_start3A_535 = arith.constant 0 : i32
        %dma_start3A_536 = tpu.memref_slice %arg6[%dma_start3A_534, %dma_start3A_535] : memref<8208x128xf32, #tpu.memory_space<vmem_shared>> -> memref<8208x128xf32, #tpu.memory_space<vmem_shared>>
        tpu.enqueue_indirect_dma source(%arg10 : memref<128x128xf32, #tpu.memory_space<vmem>>) target(%dma_start3A_536 : memref<8208x128xf32, #tpu.memory_space<vmem_shared>>) offsets(%dma_start3A_533 : memref<128xi32, #tpu.memory_space<vmem>>) semaphore(%run_scoped3A : memref<!tpu.dma_semaphore, #tpu.memory_space<semaphore_mem>>) {add = true}
        %dma_wait3A_537 = arith.constant 0 : i32
        %dma_wait3A_538 = tpu.memref_slice %arg9[%while3A_520, %dma_wait3A_537] : memref<130x128xi32, #tpu.memory_space<vmem>> -> memref<1x128xi32, #tpu.memory_space<vmem>>
        %dma_wait3A_539 = tpu.memref_squeeze %dma_wait3A_538 : memref<1x128xi32, #tpu.memory_space<vmem>> -> memref<128xi32, #tpu.memory_space<vmem>>
        %dma_wait3A_540 = arith.constant 0 : i32
        %dma_wait3A_541 = arith.constant 0 : i32
        %dma_wait3A_542 = tpu.memref_slice %arg6[%dma_wait3A_540, %dma_wait3A_541] : memref<8208x128xf32, #tpu.memory_space<vmem_shared>> -> memref<8208x128xf32, #tpu.memory_space<vmem_shared>>
        tpu.wait_indirect_dma semaphore(%run_scoped3A : memref<!tpu.dma_semaphore, #tpu.memory_space<semaphore_mem>>) src(%arg10 : memref<128x128xf32, #tpu.memory_space<vmem>>) dst(%dma_wait3A_542 : memref<8208x128xf32, #tpu.memory_space<vmem_shared>>)
        tpu.yield
      }) : () -> ()
    }
    %barrier3A_130 = arith.constant 0 : index
    tpu.barrier barrier_id(%barrier3A_130)
    %mul3A_131 = arith.constant 512 : i32
    %mul3A_132 = arith.muli %arg1, %mul3A_131 : i32
    %mul3A_133 = arith.constant 512 : i32
    %mul3A_134 = arith.muli %arg1, %mul3A_133 : i32
    %add3A_135 = arith.addi %mul3A_17, %mul3A_134 : i32
    "tpu.region"() ({
      %run_scoped3A = tpu.sem_alloc : memref<!tpu.dma_semaphore, #tpu.memory_space<semaphore_mem>>
      %dma_start3A = arith.constant 0 : i32
      %dma_start3A_520 = tpu.memref_slice %arg5[%add3A_135, %dma_start3A] : memref<65536x128xf32, #tpu.memory_space<hbm>> -> memref<512x128xf32, #tpu.memory_space<hbm>>
      %dma_start3A_521 = arith.constant 0 : i32
      %dma_start3A_522 = tpu.memref_slice %arg6[%mul3A_132, %dma_start3A_521] : memref<8208x128xf32, #tpu.memory_space<vmem_shared>> -> memref<512x128xf32, #tpu.memory_space<vmem_shared>>
      tpu.enqueue_dma source(%dma_start3A_522 : memref<512x128xf32, #tpu.memory_space<vmem_shared>>) target(%dma_start3A_520 : memref<512x128xf32, #tpu.memory_space<hbm>>) target_semaphore(%run_scoped3A : memref<!tpu.dma_semaphore, #tpu.memory_space<semaphore_mem>>)
      %dma_wait3A = arith.constant 0 : i32
      %dma_wait3A_523 = tpu.memref_slice %arg5[%add3A_135, %dma_wait3A] : memref<65536x128xf32, #tpu.memory_space<hbm>> -> memref<512x128xf32, #tpu.memory_space<hbm>>
      %dma_wait3A_524 = arith.constant 0 : i32
      %dma_wait3A_525 = tpu.memref_slice %arg6[%mul3A_132, %dma_wait3A_524] : memref<8208x128xf32, #tpu.memory_space<vmem_shared>> -> memref<512x128xf32, #tpu.memory_space<vmem_shared>>
      tpu.wait_dma2 semaphore(%run_scoped3A : memref<!tpu.dma_semaphore, #tpu.memory_space<semaphore_mem>>) src(%dma_wait3A_525 : memref<512x128xf32, #tpu.memory_space<vmem_shared>>) dst(%dma_wait3A_523 : memref<512x128xf32, #tpu.memory_space<hbm>>)
      tpu.yield
    }) : () -> ()
    %add3A_136 = arith.constant 2 : i32
    %add3A_137 = arith.addi %add3A_136, %arg0 : i32
    %mul3A_138 = arith.constant 8192 : i32
    %mul3A_139 = arith.muli %add3A_137, %mul3A_138 : i32
    %broadcast_in_dim3A_140 = vector.broadcast %mul3A_139 : i32 to vector<16xi32>
    %mul3A_141 = arith.constant 512 : i32
    %mul3A_142 = arith.muli %arg1, %mul3A_141 : i32
    %add3A_143 = arith.addi %mul3A_139, %mul3A_142 : i32
    %mul3A_144 = arith.constant 512 : i32
    %mul3A_145 = arith.muli %arg1, %mul3A_144 : i32
    "tpu.region"() ({
      %run_scoped3A = tpu.sem_alloc : memref<!tpu.dma_semaphore, #tpu.memory_space<semaphore_mem>>
      %dma_start3A = arith.constant 0 : i32
      %dma_start3A_520 = tpu.memref_slice %arg6[%mul3A_145, %dma_start3A] : memref<8208x128xf32, #tpu.memory_space<vmem_shared>> -> memref<512x128xf32, #tpu.memory_space<vmem_shared>>
      %dma_start3A_521 = arith.constant 0 : i32
      %dma_start3A_522 = tpu.memref_slice %arg4[%add3A_143, %dma_start3A_521] : memref<65536x128xf32, #tpu.memory_space<hbm>> -> memref<512x128xf32, #tpu.memory_space<hbm>>
      tpu.enqueue_dma source(%dma_start3A_522 : memref<512x128xf32, #tpu.memory_space<hbm>>) target(%dma_start3A_520 : memref<512x128xf32, #tpu.memory_space<vmem_shared>>) target_semaphore(%run_scoped3A : memref<!tpu.dma_semaphore, #tpu.memory_space<semaphore_mem>>)
      %dma_wait3A = arith.constant 0 : i32
      %dma_wait3A_523 = tpu.memref_slice %arg6[%mul3A_145, %dma_wait3A] : memref<8208x128xf32, #tpu.memory_space<vmem_shared>> -> memref<512x128xf32, #tpu.memory_space<vmem_shared>>
      %dma_wait3A_524 = arith.constant 0 : i32
      %dma_wait3A_525 = tpu.memref_slice %arg4[%add3A_143, %dma_wait3A_524] : memref<65536x128xf32, #tpu.memory_space<hbm>> -> memref<512x128xf32, #tpu.memory_space<hbm>>
      tpu.wait_dma2 semaphore(%run_scoped3A : memref<!tpu.dma_semaphore, #tpu.memory_space<semaphore_mem>>) src(%dma_wait3A_525 : memref<512x128xf32, #tpu.memory_space<hbm>>) dst(%dma_wait3A_523 : memref<512x128xf32, #tpu.memory_space<vmem_shared>>)
      tpu.yield
    }) : () -> ()
    %barrier3A_146 = arith.constant 0 : index
    tpu.barrier barrier_id(%barrier3A_146)
    %broadcast_in_dim3A_147 = arith.constant 0 : i32
    %broadcast_in_dim3A_148 = vector.broadcast %broadcast_in_dim3A_147 : i32 to vector<16xi32>
    %add3A_149 = arith.constant 0 : i32
    %add3A_150 = arith.addi %mul3A_0, %add3A_149 : i32
    "tpu.region"() ({
      %run_scoped3A = tpu.sem_alloc : memref<!tpu.dma_semaphore, #tpu.memory_space<semaphore_mem>>
      %dma_start3A = tpu.memref_slice %arg3[%add3A_150] : memref<262144xi32, #tpu.memory_space<hbm>> -> memref<8192xi32, #tpu.memory_space<hbm>>
      %dma_start3A_520 = tpu.memref_slice %arg3[%add3A_150] : memref<262144xi32, #tpu.memory_space<hbm>> -> memref<8192xi32, #tpu.memory_space<hbm>>
      tpu.enqueue_dma source(%dma_start3A_520 : memref<8192xi32, #tpu.memory_space<hbm>>) target(%arg7 : memref<8192xi32, #tpu.memory_space<vmem>>) target_semaphore(%run_scoped3A : memref<!tpu.dma_semaphore, #tpu.memory_space<semaphore_mem>>)
      %dma_wait3A = tpu.memref_slice %arg3[%add3A_150] : memref<262144xi32, #tpu.memory_space<hbm>> -> memref<8192xi32, #tpu.memory_space<hbm>>
      %dma_wait3A_521 = tpu.memref_slice %arg3[%add3A_150] : memref<262144xi32, #tpu.memory_space<hbm>> -> memref<8192xi32, #tpu.memory_space<hbm>>
      tpu.wait_dma2 semaphore(%run_scoped3A : memref<!tpu.dma_semaphore, #tpu.memory_space<semaphore_mem>>) src(%dma_wait3A_521 : memref<8192xi32, #tpu.memory_space<hbm>>) dst(%arg7 : memref<8192xi32, #tpu.memory_space<vmem>>)
      tpu.yield
    }) : () -> ()
    %broadcast_in_dim3A_151 = arith.constant 0 : i32
    %broadcast_in_dim3A_152 = vector.broadcast %broadcast_in_dim3A_151 : i32 to vector<16xi32>
    %add3A_153 = arith.addi %broadcast_in_dim3A_13, %broadcast_in_dim3A_152 : vector<16xi32>
    %scan3A_154 = arith.constant 0 : i32
    %scan3A_155 = arith.constant 512 : i32
    %scan3A_156 = arith.addi %scan3A_154, %scan3A_155 : i32
    %scan3A_157 = arith.constant 1 : i32
    %scan3A_158 = scf.for %scan3A_520 = %scan3A_154 to %scan3A_156 step %scan3A_157 iter_args(%scan3A_521 = %broadcast_in_dim3A_148) -> (vector<16xi32>)  : i32 {
      %mul3A_522 = arith.constant 16 : i32
      %mul3A_523 = arith.muli %scan3A_520, %mul3A_522 : i32
      %get3A = arith.index_cast %mul3A_523 : i32 to index
      %get3A_524 = tpu.vector_load %arg7[%get3A] {strides = array<i32>} : memref<8192xi32, #tpu.memory_space<vmem>>, vector<16xi32>,
      %sub3A = arith.subi %get3A_524, %broadcast_in_dim3A_140 : vector<16xi32>
      %ge3A = arith.cmpi sge, %sub3A, %broadcast_in_dim3A_1 : vector<16xi32>
      %lt3A = arith.cmpi slt, %sub3A, %broadcast_in_dim3A_5 : vector<16xi32>
      %and3A_525 = arith.andi %ge3A, %lt3A : vector<16xi1>
      %convert_element_type3A = arith.extui %and3A_525 : vector<16xi1> to vector<16xi32>
      %broadcast_in_dim3A_526 = arith.constant true
      %broadcast_in_dim3A_527 = vector.broadcast %broadcast_in_dim3A_526 : i1 to vector<16xi1>
      %masked_cumsum3A = tpu.scan <sum>, %convert_element_type3A masked %broadcast_in_dim3A_527 : vector<16xi32>, vector<16xi1> -> vector<16xi32>
      %add3A_528 = arith.addi %scan3A_521, %masked_cumsum3A : vector<16xi32>
      %sub3A_529 = arith.subi %add3A_528, %broadcast_in_dim3A_3 : vector<16xi32>
      %mul3A_530 = arith.constant 16 : i32
      %mul3A_531 = arith.muli %scan3A_520, %mul3A_530 : i32
      %broadcast_in_dim3A_532 = vector.broadcast %mul3A_531 : i32 to vector<16xi32>
      %add3A_533 = arith.addi %add3A_153, %broadcast_in_dim3A_532 : vector<16xi32>
      %add3A_534 = arith.addi %add3A_533, %iota3A : vector<16xi32>
      %shift_right_arithmetic3A_535 = arith.shrsi %sub3A_529, %broadcast_in_dim3A_7 : vector<16xi32>
      %and3A_536 = arith.andi %sub3A_529, %broadcast_in_dim3A_9 : vector<16xi32>
      tpu.vector_store_idx %arg8[%shift_right_arithmetic3A_535, %and3A_536], %add3A_534 masked %and3A_525 : memref<130x128xi32, #tpu.memory_space<vmem>>[vector<16xi32>, vector<16xi32>], vector<16xi32>, vector<16xi1>
      %shift_right_arithmetic3A_537 = arith.shrsi %sub3A_529, %broadcast_in_dim3A_7 : vector<16xi32>
      %and3A_538 = arith.andi %sub3A_529, %broadcast_in_dim3A_9 : vector<16xi32>
      tpu.vector_store_idx %arg9[%shift_right_arithmetic3A_537, %and3A_538], %sub3A masked %and3A_525 : memref<130x128xi32, #tpu.memory_space<vmem>>[vector<16xi32>, vector<16xi32>], vector<16xi32>, vector<16xi1>
      %all_reduce_population_count3A = tpu.all_reduce %and3A_525 {dim = 0 : i64, kind = #tpu.reduction_kind<sum>} : vector<16xi1> -> vector<16xi32>
      %add3A_539 = arith.addi %scan3A_521, %all_reduce_population_count3A : vector<16xi32>
      scf.yield %add3A_539 : vector<16xi32>
    }
    %scan3A_159 = arith.constant 512 : i32
    %add3A_160 = arith.constant 8192 : i32
    %add3A_161 = arith.addi %mul3A_0, %add3A_160 : i32
    "tpu.region"() ({
      %run_scoped3A = tpu.sem_alloc : memref<!tpu.dma_semaphore, #tpu.memory_space<semaphore_mem>>
      %dma_start3A = tpu.memref_slice %arg3[%add3A_161] : memref<262144xi32, #tpu.memory_space<hbm>> -> memref<8192xi32, #tpu.memory_space<hbm>>
      %dma_start3A_520 = tpu.memref_slice %arg3[%add3A_161] : memref<262144xi32, #tpu.memory_space<hbm>> -> memref<8192xi32, #tpu.memory_space<hbm>>
      tpu.enqueue_dma source(%dma_start3A_520 : memref<8192xi32, #tpu.memory_space<hbm>>) target(%arg7 : memref<8192xi32, #tpu.memory_space<vmem>>) target_semaphore(%run_scoped3A : memref<!tpu.dma_semaphore, #tpu.memory_space<semaphore_mem>>)
      %dma_wait3A = tpu.memref_slice %arg3[%add3A_161] : memref<262144xi32, #tpu.memory_space<hbm>> -> memref<8192xi32, #tpu.memory_space<hbm>>
      %dma_wait3A_521 = tpu.memref_slice %arg3[%add3A_161] : memref<262144xi32, #tpu.memory_space<hbm>> -> memref<8192xi32, #tpu.memory_space<hbm>>
      tpu.wait_dma2 semaphore(%run_scoped3A : memref<!tpu.dma_semaphore, #tpu.memory_space<semaphore_mem>>) src(%dma_wait3A_521 : memref<8192xi32, #tpu.memory_space<hbm>>) dst(%arg7 : memref<8192xi32, #tpu.memory_space<vmem>>)
      tpu.yield
    }) : () -> ()
    %broadcast_in_dim3A_162 = arith.constant 8192 : i32
    %broadcast_in_dim3A_163 = vector.broadcast %broadcast_in_dim3A_162 : i32 to vector<16xi32>
    %add3A_164 = arith.addi %broadcast_in_dim3A_13, %broadcast_in_dim3A_163 : vector<16xi32>
    %scan3A_165 = arith.constant 0 : i32
    %scan3A_166 = arith.constant 512 : i32
    %scan3A_167 = arith.addi %scan3A_165, %scan3A_166 : i32
    %scan3A_168 = arith.constant 1 : i32
    %scan3A_169 = scf.for %scan3A_520 = %scan3A_165 to %scan3A_167 step %scan3A_168 iter_args(%scan3A_521 = %scan3A_158) -> (vector<16xi32>)  : i32 {
      %mul3A_522 = arith.constant 16 : i32
      %mul3A_523 = arith.muli %scan3A_520, %mul3A_522 : i32
      %get3A = arith.index_cast %mul3A_523 : i32 to index
      %get3A_524 = tpu.vector_load %arg7[%get3A] {strides = array<i32>} : memref<8192xi32, #tpu.memory_space<vmem>>, vector<16xi32>,
      %sub3A = arith.subi %get3A_524, %broadcast_in_dim3A_140 : vector<16xi32>
      %ge3A = arith.cmpi sge, %sub3A, %broadcast_in_dim3A_1 : vector<16xi32>
      %lt3A = arith.cmpi slt, %sub3A, %broadcast_in_dim3A_5 : vector<16xi32>
      %and3A_525 = arith.andi %ge3A, %lt3A : vector<16xi1>
      %convert_element_type3A = arith.extui %and3A_525 : vector<16xi1> to vector<16xi32>
      %broadcast_in_dim3A_526 = arith.constant true
      %broadcast_in_dim3A_527 = vector.broadcast %broadcast_in_dim3A_526 : i1 to vector<16xi1>
      %masked_cumsum3A = tpu.scan <sum>, %convert_element_type3A masked %broadcast_in_dim3A_527 : vector<16xi32>, vector<16xi1> -> vector<16xi32>
      %add3A_528 = arith.addi %scan3A_521, %masked_cumsum3A : vector<16xi32>
      %sub3A_529 = arith.subi %add3A_528, %broadcast_in_dim3A_3 : vector<16xi32>
      %mul3A_530 = arith.constant 16 : i32
      %mul3A_531 = arith.muli %scan3A_520, %mul3A_530 : i32
      %broadcast_in_dim3A_532 = vector.broadcast %mul3A_531 : i32 to vector<16xi32>
      %add3A_533 = arith.addi %add3A_164, %broadcast_in_dim3A_532 : vector<16xi32>
      %add3A_534 = arith.addi %add3A_533, %iota3A : vector<16xi32>
      %shift_right_arithmetic3A_535 = arith.shrsi %sub3A_529, %broadcast_in_dim3A_7 : vector<16xi32>
      %and3A_536 = arith.andi %sub3A_529, %broadcast_in_dim3A_9 : vector<16xi32>
      tpu.vector_store_idx %arg8[%shift_right_arithmetic3A_535, %and3A_536], %add3A_534 masked %and3A_525 : memref<130x128xi32, #tpu.memory_space<vmem>>[vector<16xi32>, vector<16xi32>], vector<16xi32>, vector<16xi1>
      %shift_right_arithmetic3A_537 = arith.shrsi %sub3A_529, %broadcast_in_dim3A_7 : vector<16xi32>
      %and3A_538 = arith.andi %sub3A_529, %broadcast_in_dim3A_9 : vector<16xi32>
      tpu.vector_store_idx %arg9[%shift_right_arithmetic3A_537, %and3A_538], %sub3A masked %and3A_525 : memref<130x128xi32, #tpu.memory_space<vmem>>[vector<16xi32>, vector<16xi32>], vector<16xi32>, vector<16xi1>
      %all_reduce_population_count3A = tpu.all_reduce %and3A_525 {dim = 0 : i64, kind = #tpu.reduction_kind<sum>} : vector<16xi1> -> vector<16xi32>
      %add3A_539 = arith.addi %scan3A_521, %all_reduce_population_count3A : vector<16xi32>
      scf.yield %add3A_539 : vector<16xi32>
    }
    %scan3A_170 = arith.constant 512 : i32
    %reduce_max3A_171 = arith.constant true
    %reduce_max3A_172 = vector.broadcast %reduce_max3A_171 : i1 to vector<16xi1>
    %reduce_max3A_173 = arith.constant -2147483648 : i32
    %reduce_max3A_174 = vector.broadcast %reduce_max3A_173 : i32 to vector<16xi32>
    %reduce_max3A_175 = arith.xori %scan3A_169, %reduce_max3A_174 : vector<16xi32>
    %reduce_max3A_176 = tpu.scan <max>, %reduce_max3A_175 masked %reduce_max3A_172 : vector<16xi32>, vector<16xi1> -> vector<16xi32>
    %reduce_max3A_177 = arith.xori %reduce_max3A_176, %reduce_max3A_174 : vector<16xi32>
    %reduce_max3A_178 = vector.extract %reduce_max3A_177[15] : i32 from vector<16xi32>
    %broadcast_in_dim3A_179 = vector.broadcast %reduce_max3A_178 : i32 to vector<16xi32>
    %broadcast_in_dim3A_180 = arith.constant 0 : i32
    %broadcast_in_dim3A_181 = vector.broadcast %broadcast_in_dim3A_180 : i32 to vector<16xi32>
    %add3A_182 = arith.addi %iota3A, %broadcast_in_dim3A_181 : vector<16xi32>
    %add3A_183 = arith.addi %broadcast_in_dim3A_179, %add3A_182 : vector<16xi32>
    %shift_right_arithmetic3A_184 = arith.shrsi %add3A_183, %broadcast_in_dim3A_7 : vector<16xi32>
    %and3A_185 = arith.andi %add3A_183, %broadcast_in_dim3A_9 : vector<16xi32>
    tpu.vector_store_idx %arg9[%shift_right_arithmetic3A_184, %and3A_185], %add3A : memref<130x128xi32, #tpu.memory_space<vmem>>[vector<16xi32>, vector<16xi32>], vector<16xi32>,
    %shift_right_arithmetic3A_186 = arith.shrsi %add3A_183, %broadcast_in_dim3A_7 : vector<16xi32>
    %and3A_187 = arith.andi %add3A_183, %broadcast_in_dim3A_9 : vector<16xi32>
    tpu.vector_store_idx %arg8[%shift_right_arithmetic3A_186, %and3A_187], %broadcast_in_dim3A_13 : memref<130x128xi32, #tpu.memory_space<vmem>>[vector<16xi32>, vector<16xi32>], vector<16xi32>,
    %broadcast_in_dim3A_188 = arith.constant 16 : i32
    %broadcast_in_dim3A_189 = vector.broadcast %broadcast_in_dim3A_188 : i32 to vector<16xi32>
    %add3A_190 = arith.addi %iota3A, %broadcast_in_dim3A_189 : vector<16xi32>
    %add3A_191 = arith.addi %broadcast_in_dim3A_179, %add3A_190 : vector<16xi32>
    %shift_right_arithmetic3A_192 = arith.shrsi %add3A_191, %broadcast_in_dim3A_7 : vector<16xi32>
    %and3A_193 = arith.andi %add3A_191, %broadcast_in_dim3A_9 : vector<16xi32>
    tpu.vector_store_idx %arg9[%shift_right_arithmetic3A_192, %and3A_193], %add3A : memref<130x128xi32, #tpu.memory_space<vmem>>[vector<16xi32>, vector<16xi32>], vector<16xi32>,
    %shift_right_arithmetic3A_194 = arith.shrsi %add3A_191, %broadcast_in_dim3A_7 : vector<16xi32>
    %and3A_195 = arith.andi %add3A_191, %broadcast_in_dim3A_9 : vector<16xi32>
    tpu.vector_store_idx %arg8[%shift_right_arithmetic3A_194, %and3A_195], %broadcast_in_dim3A_13 : memref<130x128xi32, #tpu.memory_space<vmem>>[vector<16xi32>, vector<16xi32>], vector<16xi32>,
    %broadcast_in_dim3A_196 = arith.constant 32 : i32
    %broadcast_in_dim3A_197 = vector.broadcast %broadcast_in_dim3A_196 : i32 to vector<16xi32>
    %add3A_198 = arith.addi %iota3A, %broadcast_in_dim3A_197 : vector<16xi32>
    %add3A_199 = arith.addi %broadcast_in_dim3A_179, %add3A_198 : vector<16xi32>
    %shift_right_arithmetic3A_200 = arith.shrsi %add3A_199, %broadcast_in_dim3A_7 : vector<16xi32>
    %and3A_201 = arith.andi %add3A_199, %broadcast_in_dim3A_9 : vector<16xi32>
    tpu.vector_store_idx %arg9[%shift_right_arithmetic3A_200, %and3A_201], %add3A : memref<130x128xi32, #tpu.memory_space<vmem>>[vector<16xi32>, vector<16xi32>], vector<16xi32>,
    %shift_right_arithmetic3A_202 = arith.shrsi %add3A_199, %broadcast_in_dim3A_7 : vector<16xi32>
    %and3A_203 = arith.andi %add3A_199, %broadcast_in_dim3A_9 : vector<16xi32>
    tpu.vector_store_idx %arg8[%shift_right_arithmetic3A_202, %and3A_203], %broadcast_in_dim3A_13 : memref<130x128xi32, #tpu.memory_space<vmem>>[vector<16xi32>, vector<16xi32>], vector<16xi32>,
    %broadcast_in_dim3A_204 = arith.constant 48 : i32
    %broadcast_in_dim3A_205 = vector.broadcast %broadcast_in_dim3A_204 : i32 to vector<16xi32>
    %add3A_206 = arith.addi %iota3A, %broadcast_in_dim3A_205 : vector<16xi32>
    %add3A_207 = arith.addi %broadcast_in_dim3A_179, %add3A_206 : vector<16xi32>
    %shift_right_arithmetic3A_208 = arith.shrsi %add3A_207, %broadcast_in_dim3A_7 : vector<16xi32>
    %and3A_209 = arith.andi %add3A_207, %broadcast_in_dim3A_9 : vector<16xi32>
    tpu.vector_store_idx %arg9[%shift_right_arithmetic3A_208, %and3A_209], %add3A : memref<130x128xi32, #tpu.memory_space<vmem>>[vector<16xi32>, vector<16xi32>], vector<16xi32>,
    %shift_right_arithmetic3A_210 = arith.shrsi %add3A_207, %broadcast_in_dim3A_7 : vector<16xi32>
    %and3A_211 = arith.andi %add3A_207, %broadcast_in_dim3A_9 : vector<16xi32>
    tpu.vector_store_idx %arg8[%shift_right_arithmetic3A_210, %and3A_211], %broadcast_in_dim3A_13 : memref<130x128xi32, #tpu.memory_space<vmem>>[vector<16xi32>, vector<16xi32>], vector<16xi32>,
    %broadcast_in_dim3A_212 = arith.constant 64 : i32
    %broadcast_in_dim3A_213 = vector.broadcast %broadcast_in_dim3A_212 : i32 to vector<16xi32>
    %add3A_214 = arith.addi %iota3A, %broadcast_in_dim3A_213 : vector<16xi32>
    %add3A_215 = arith.addi %broadcast_in_dim3A_179, %add3A_214 : vector<16xi32>
    %shift_right_arithmetic3A_216 = arith.shrsi %add3A_215, %broadcast_in_dim3A_7 : vector<16xi32>
    %and3A_217 = arith.andi %add3A_215, %broadcast_in_dim3A_9 : vector<16xi32>
    tpu.vector_store_idx %arg9[%shift_right_arithmetic3A_216, %and3A_217], %add3A : memref<130x128xi32, #tpu.memory_space<vmem>>[vector<16xi32>, vector<16xi32>], vector<16xi32>,
    %shift_right_arithmetic3A_218 = arith.shrsi %add3A_215, %broadcast_in_dim3A_7 : vector<16xi32>
    %and3A_219 = arith.andi %add3A_215, %broadcast_in_dim3A_9 : vector<16xi32>
    tpu.vector_store_idx %arg8[%shift_right_arithmetic3A_218, %and3A_219], %broadcast_in_dim3A_13 : memref<130x128xi32, #tpu.memory_space<vmem>>[vector<16xi32>, vector<16xi32>], vector<16xi32>,
    %broadcast_in_dim3A_220 = arith.constant 80 : i32
    %broadcast_in_dim3A_221 = vector.broadcast %broadcast_in_dim3A_220 : i32 to vector<16xi32>
    %add3A_222 = arith.addi %iota3A, %broadcast_in_dim3A_221 : vector<16xi32>
    %add3A_223 = arith.addi %broadcast_in_dim3A_179, %add3A_222 : vector<16xi32>
    %shift_right_arithmetic3A_224 = arith.shrsi %add3A_223, %broadcast_in_dim3A_7 : vector<16xi32>
    %and3A_225 = arith.andi %add3A_223, %broadcast_in_dim3A_9 : vector<16xi32>
    tpu.vector_store_idx %arg9[%shift_right_arithmetic3A_224, %and3A_225], %add3A : memref<130x128xi32, #tpu.memory_space<vmem>>[vector<16xi32>, vector<16xi32>], vector<16xi32>,
    %shift_right_arithmetic3A_226 = arith.shrsi %add3A_223, %broadcast_in_dim3A_7 : vector<16xi32>
    %and3A_227 = arith.andi %add3A_223, %broadcast_in_dim3A_9 : vector<16xi32>
    tpu.vector_store_idx %arg8[%shift_right_arithmetic3A_226, %and3A_227], %broadcast_in_dim3A_13 : memref<130x128xi32, #tpu.memory_space<vmem>>[vector<16xi32>, vector<16xi32>], vector<16xi32>,
    %broadcast_in_dim3A_228 = arith.constant 96 : i32
    %broadcast_in_dim3A_229 = vector.broadcast %broadcast_in_dim3A_228 : i32 to vector<16xi32>
    %add3A_230 = arith.addi %iota3A, %broadcast_in_dim3A_229 : vector<16xi32>
    %add3A_231 = arith.addi %broadcast_in_dim3A_179, %add3A_230 : vector<16xi32>
    %shift_right_arithmetic3A_232 = arith.shrsi %add3A_231, %broadcast_in_dim3A_7 : vector<16xi32>
    %and3A_233 = arith.andi %add3A_231, %broadcast_in_dim3A_9 : vector<16xi32>
    tpu.vector_store_idx %arg9[%shift_right_arithmetic3A_232, %and3A_233], %add3A : memref<130x128xi32, #tpu.memory_space<vmem>>[vector<16xi32>, vector<16xi32>], vector<16xi32>,
    %shift_right_arithmetic3A_234 = arith.shrsi %add3A_231, %broadcast_in_dim3A_7 : vector<16xi32>
    %and3A_235 = arith.andi %add3A_231, %broadcast_in_dim3A_9 : vector<16xi32>
    tpu.vector_store_idx %arg8[%shift_right_arithmetic3A_234, %and3A_235], %broadcast_in_dim3A_13 : memref<130x128xi32, #tpu.memory_space<vmem>>[vector<16xi32>, vector<16xi32>], vector<16xi32>,
    %broadcast_in_dim3A_236 = arith.constant 112 : i32
    %broadcast_in_dim3A_237 = vector.broadcast %broadcast_in_dim3A_236 : i32 to vector<16xi32>
    %add3A_238 = arith.addi %iota3A, %broadcast_in_dim3A_237 : vector<16xi32>
    %add3A_239 = arith.addi %broadcast_in_dim3A_179, %add3A_238 : vector<16xi32>
    %shift_right_arithmetic3A_240 = arith.shrsi %add3A_239, %broadcast_in_dim3A_7 : vector<16xi32>
    %and3A_241 = arith.andi %add3A_239, %broadcast_in_dim3A_9 : vector<16xi32>
    tpu.vector_store_idx %arg9[%shift_right_arithmetic3A_240, %and3A_241], %add3A : memref<130x128xi32, #tpu.memory_space<vmem>>[vector<16xi32>, vector<16xi32>], vector<16xi32>,
    %shift_right_arithmetic3A_242 = arith.shrsi %add3A_239, %broadcast_in_dim3A_7 : vector<16xi32>
    %and3A_243 = arith.andi %add3A_239, %broadcast_in_dim3A_9 : vector<16xi32>
    tpu.vector_store_idx %arg8[%shift_right_arithmetic3A_242, %and3A_243], %broadcast_in_dim3A_13 : memref<130x128xi32, #tpu.memory_space<vmem>>[vector<16xi32>, vector<16xi32>], vector<16xi32>,
    %add3A_244 = arith.constant 127 : i32
    %add3A_245 = arith.addi %reduce_max3A_178, %add3A_244 : i32
    %shift_right_arithmetic3A_246 = arith.constant 7 : i32
    %shift_right_arithmetic3A_247 = arith.shrsi %add3A_245, %shift_right_arithmetic3A_246 : i32
    %while3A_248 = arith.constant 0 : i32
    %while3A_249 = arith.constant 0 : i32
    %while3A_250 = arith.subi %shift_right_arithmetic3A_247, %while3A_249 : i32
    %while3A_251 = arith.addi %while3A_249, %while3A_250 : i32
    %while3A_252 = arith.constant 1 : i32
    %while3A_253 = arith.divsi %while3A_250, %while3A_252 : i32
    %while3A_254 = arith.muli %while3A_253, %while3A_252 : i32
    %while3A_255 = arith.addi %while3A_249, %while3A_254 : i32
    %while3A_256 = arith.constant 1 : i32
    scf.for %while3A_520 = %while3A_249 to %while3A_255 step %while3A_256  : i32 {
      %dma_start3A = arith.constant 0 : i32
      %dma_start3A_521 = tpu.memref_slice %arg8[%while3A_520, %dma_start3A] : memref<130x128xi32, #tpu.memory_space<vmem>> -> memref<1x128xi32, #tpu.memory_space<vmem>>
      %dma_start3A_522 = tpu.memref_squeeze %dma_start3A_521 : memref<1x128xi32, #tpu.memory_space<vmem>> -> memref<128xi32, #tpu.memory_space<vmem>>
      %dma_start3A_523 = arith.constant 0 : i32
      %dma_start3A_524 = arith.constant 0 : i32
      %dma_start3A_525 = tpu.memref_slice %arg2[%dma_start3A_523, %dma_start3A_524] : memref<262144x128xf32, #tpu.memory_space<hbm>> -> memref<262144x128xf32, #tpu.memory_space<hbm>>
      tpu.enqueue_indirect_dma source(%dma_start3A_525 : memref<262144x128xf32, #tpu.memory_space<hbm>>) target(%arg10 : memref<128x128xf32, #tpu.memory_space<vmem>>) offsets(%dma_start3A_522 : memref<128xi32, #tpu.memory_space<vmem>>) semaphore(%arg11 : memref<!tpu.dma_semaphore, #tpu.memory_space<semaphore_mem>>)
      %dma_wait3A = arith.constant 0 : i32
      %dma_wait3A_526 = tpu.memref_slice %arg8[%while3A_520, %dma_wait3A] : memref<130x128xi32, #tpu.memory_space<vmem>> -> memref<1x128xi32, #tpu.memory_space<vmem>>
      %dma_wait3A_527 = tpu.memref_squeeze %dma_wait3A_526 : memref<1x128xi32, #tpu.memory_space<vmem>> -> memref<128xi32, #tpu.memory_space<vmem>>
      %dma_wait3A_528 = arith.constant 0 : i32
      %dma_wait3A_529 = arith.constant 0 : i32
      %dma_wait3A_530 = tpu.memref_slice %arg2[%dma_wait3A_528, %dma_wait3A_529] : memref<262144x128xf32, #tpu.memory_space<hbm>> -> memref<262144x128xf32, #tpu.memory_space<hbm>>
      tpu.wait_indirect_dma semaphore(%arg11 : memref<!tpu.dma_semaphore, #tpu.memory_space<semaphore_mem>>) src(%dma_wait3A_530 : memref<262144x128xf32, #tpu.memory_space<hbm>>) dst(%arg10 : memref<128x128xf32, #tpu.memory_space<vmem>>)
      "tpu.region"() ({
        %run_scoped3A = tpu.sem_alloc : memref<!tpu.dma_semaphore, #tpu.memory_space<semaphore_mem>>
        %dma_start3A_531 = arith.constant 0 : i32
        %dma_start3A_532 = tpu.memref_slice %arg9[%while3A_520, %dma_start3A_531] : memref<130x128xi32, #tpu.memory_space<vmem>> -> memref<1x128xi32, #tpu.memory_space<vmem>>
        %dma_start3A_533 = tpu.memref_squeeze %dma_start3A_532 : memref<1x128xi32, #tpu.memory_space<vmem>> -> memref<128xi32, #tpu.memory_space<vmem>>
        %dma_start3A_534 = arith.constant 0 : i32
        %dma_start3A_535 = arith.constant 0 : i32
        %dma_start3A_536 = tpu.memref_slice %arg6[%dma_start3A_534, %dma_start3A_535] : memref<8208x128xf32, #tpu.memory_space<vmem_shared>> -> memref<8208x128xf32, #tpu.memory_space<vmem_shared>>
        tpu.enqueue_indirect_dma source(%arg10 : memref<128x128xf32, #tpu.memory_space<vmem>>) target(%dma_start3A_536 : memref<8208x128xf32, #tpu.memory_space<vmem_shared>>) offsets(%dma_start3A_533 : memref<128xi32, #tpu.memory_space<vmem>>) semaphore(%run_scoped3A : memref<!tpu.dma_semaphore, #tpu.memory_space<semaphore_mem>>) {add = true}
        %dma_wait3A_537 = arith.constant 0 : i32
        %dma_wait3A_538 = tpu.memref_slice %arg9[%while3A_520, %dma_wait3A_537] : memref<130x128xi32, #tpu.memory_space<vmem>> -> memref<1x128xi32, #tpu.memory_space<vmem>>
        %dma_wait3A_539 = tpu.memref_squeeze %dma_wait3A_538 : memref<1x128xi32, #tpu.memory_space<vmem>> -> memref<128xi32, #tpu.memory_space<vmem>>
        %dma_wait3A_540 = arith.constant 0 : i32
        %dma_wait3A_541 = arith.constant 0 : i32
        %dma_wait3A_542 = tpu.memref_slice %arg6[%dma_wait3A_540, %dma_wait3A_541] : memref<8208x128xf32, #tpu.memory_space<vmem_shared>> -> memref<8208x128xf32, #tpu.memory_space<vmem_shared>>
        tpu.wait_indirect_dma semaphore(%run_scoped3A : memref<!tpu.dma_semaphore, #tpu.memory_space<semaphore_mem>>) src(%arg10 : memref<128x128xf32, #tpu.memory_space<vmem>>) dst(%dma_wait3A_542 : memref<8208x128xf32, #tpu.memory_space<vmem_shared>>)
        tpu.yield
      }) : () -> ()
    }
    %while3A_257 = arith.constant 1 : i32
    scf.for %while3A_520 = %while3A_255 to %while3A_251 step %while3A_257  : i32 {
      %dma_start3A = arith.constant 0 : i32
      %dma_start3A_521 = tpu.memref_slice %arg8[%while3A_520, %dma_start3A] : memref<130x128xi32, #tpu.memory_space<vmem>> -> memref<1x128xi32, #tpu.memory_space<vmem>>
      %dma_start3A_522 = tpu.memref_squeeze %dma_start3A_521 : memref<1x128xi32, #tpu.memory_space<vmem>> -> memref<128xi32, #tpu.memory_space<vmem>>
      %dma_start3A_523 = arith.constant 0 : i32
      %dma_start3A_524 = arith.constant 0 : i32
      %dma_start3A_525 = tpu.memref_slice %arg2[%dma_start3A_523, %dma_start3A_524] : memref<262144x128xf32, #tpu.memory_space<hbm>> -> memref<262144x128xf32, #tpu.memory_space<hbm>>
      tpu.enqueue_indirect_dma source(%dma_start3A_525 : memref<262144x128xf32, #tpu.memory_space<hbm>>) target(%arg10 : memref<128x128xf32, #tpu.memory_space<vmem>>) offsets(%dma_start3A_522 : memref<128xi32, #tpu.memory_space<vmem>>) semaphore(%arg11 : memref<!tpu.dma_semaphore, #tpu.memory_space<semaphore_mem>>)
      %dma_wait3A = arith.constant 0 : i32
      %dma_wait3A_526 = tpu.memref_slice %arg8[%while3A_520, %dma_wait3A] : memref<130x128xi32, #tpu.memory_space<vmem>> -> memref<1x128xi32, #tpu.memory_space<vmem>>
      %dma_wait3A_527 = tpu.memref_squeeze %dma_wait3A_526 : memref<1x128xi32, #tpu.memory_space<vmem>> -> memref<128xi32, #tpu.memory_space<vmem>>
      %dma_wait3A_528 = arith.constant 0 : i32
      %dma_wait3A_529 = arith.constant 0 : i32
      %dma_wait3A_530 = tpu.memref_slice %arg2[%dma_wait3A_528, %dma_wait3A_529] : memref<262144x128xf32, #tpu.memory_space<hbm>> -> memref<262144x128xf32, #tpu.memory_space<hbm>>
      tpu.wait_indirect_dma semaphore(%arg11 : memref<!tpu.dma_semaphore, #tpu.memory_space<semaphore_mem>>) src(%dma_wait3A_530 : memref<262144x128xf32, #tpu.memory_space<hbm>>) dst(%arg10 : memref<128x128xf32, #tpu.memory_space<vmem>>)
      "tpu.region"() ({
        %run_scoped3A = tpu.sem_alloc : memref<!tpu.dma_semaphore, #tpu.memory_space<semaphore_mem>>
        %dma_start3A_531 = arith.constant 0 : i32
        %dma_start3A_532 = tpu.memref_slice %arg9[%while3A_520, %dma_start3A_531] : memref<130x128xi32, #tpu.memory_space<vmem>> -> memref<1x128xi32, #tpu.memory_space<vmem>>
        %dma_start3A_533 = tpu.memref_squeeze %dma_start3A_532 : memref<1x128xi32, #tpu.memory_space<vmem>> -> memref<128xi32, #tpu.memory_space<vmem>>
        %dma_start3A_534 = arith.constant 0 : i32
        %dma_start3A_535 = arith.constant 0 : i32
        %dma_start3A_536 = tpu.memref_slice %arg6[%dma_start3A_534, %dma_start3A_535] : memref<8208x128xf32, #tpu.memory_space<vmem_shared>> -> memref<8208x128xf32, #tpu.memory_space<vmem_shared>>
        tpu.enqueue_indirect_dma source(%arg10 : memref<128x128xf32, #tpu.memory_space<vmem>>) target(%dma_start3A_536 : memref<8208x128xf32, #tpu.memory_space<vmem_shared>>) offsets(%dma_start3A_533 : memref<128xi32, #tpu.memory_space<vmem>>) semaphore(%run_scoped3A : memref<!tpu.dma_semaphore, #tpu.memory_space<semaphore_mem>>) {add = true}
        %dma_wait3A_537 = arith.constant 0 : i32
        %dma_wait3A_538 = tpu.memref_slice %arg9[%while3A_520, %dma_wait3A_537] : memref<130x128xi32, #tpu.memory_space<vmem>> -> memref<1x128xi32, #tpu.memory_space<vmem>>
        %dma_wait3A_539 = tpu.memref_squeeze %dma_wait3A_538 : memref<1x128xi32, #tpu.memory_space<vmem>> -> memref<128xi32, #tpu.memory_space<vmem>>
        %dma_wait3A_540 = arith.constant 0 : i32
        %dma_wait3A_541 = arith.constant 0 : i32
        %dma_wait3A_542 = tpu.memref_slice %arg6[%dma_wait3A_540, %dma_wait3A_541] : memref<8208x128xf32, #tpu.memory_space<vmem_shared>> -> memref<8208x128xf32, #tpu.memory_space<vmem_shared>>
        tpu.wait_indirect_dma semaphore(%run_scoped3A : memref<!tpu.dma_semaphore, #tpu.memory_space<semaphore_mem>>) src(%arg10 : memref<128x128xf32, #tpu.memory_space<vmem>>) dst(%dma_wait3A_542 : memref<8208x128xf32, #tpu.memory_space<vmem_shared>>)
        tpu.yield
      }) : () -> ()
    }
    %barrier3A_258 = arith.constant 0 : index
    tpu.barrier barrier_id(%barrier3A_258)
    %mul3A_259 = arith.constant 512 : i32
    %mul3A_260 = arith.muli %arg1, %mul3A_259 : i32
    %mul3A_261 = arith.constant 512 : i32
    %mul3A_262 = arith.muli %arg1, %mul3A_261 : i32
    %add3A_263 = arith.addi %mul3A_139, %mul3A_262 : i32
    "tpu.region"() ({
      %run_scoped3A = tpu.sem_alloc : memref<!tpu.dma_semaphore, #tpu.memory_space<semaphore_mem>>
      %dma_start3A = arith.constant 0 : i32
      %dma_start3A_520 = tpu.memref_slice %arg5[%add3A_263, %dma_start3A] : memref<65536x128xf32, #tpu.memory_space<hbm>> -> memref<512x128xf32, #tpu.memory_space<hbm>>
      %dma_start3A_521 = arith.constant 0 : i32
      %dma_start3A_522 = tpu.memref_slice %arg6[%mul3A_260, %dma_start3A_521] : memref<8208x128xf32, #tpu.memory_space<vmem_shared>> -> memref<512x128xf32, #tpu.memory_space<vmem_shared>>
      tpu.enqueue_dma source(%dma_start3A_522 : memref<512x128xf32, #tpu.memory_space<vmem_shared>>) target(%dma_start3A_520 : memref<512x128xf32, #tpu.memory_space<hbm>>) target_semaphore(%run_scoped3A : memref<!tpu.dma_semaphore, #tpu.memory_space<semaphore_mem>>)
      %dma_wait3A = arith.constant 0 : i32
      %dma_wait3A_523 = tpu.memref_slice %arg5[%add3A_263, %dma_wait3A] : memref<65536x128xf32, #tpu.memory_space<hbm>> -> memref<512x128xf32, #tpu.memory_space<hbm>>
      %dma_wait3A_524 = arith.constant 0 : i32
      %dma_wait3A_525 = tpu.memref_slice %arg6[%mul3A_260, %dma_wait3A_524] : memref<8208x128xf32, #tpu.memory_space<vmem_shared>> -> memref<512x128xf32, #tpu.memory_space<vmem_shared>>
      tpu.wait_dma2 semaphore(%run_scoped3A : memref<!tpu.dma_semaphore, #tpu.memory_space<semaphore_mem>>) src(%dma_wait3A_525 : memref<512x128xf32, #tpu.memory_space<vmem_shared>>) dst(%dma_wait3A_523 : memref<512x128xf32, #tpu.memory_space<hbm>>)
      tpu.yield
    }) : () -> ()
    %add3A_264 = arith.constant 4 : i32
    %add3A_265 = arith.addi %add3A_264, %arg0 : i32
    %mul3A_266 = arith.constant 8192 : i32
    %mul3A_267 = arith.muli %add3A_265, %mul3A_266 : i32
    %broadcast_in_dim3A_268 = vector.broadcast %mul3A_267 : i32 to vector<16xi32>
    %mul3A_269 = arith.constant 512 : i32
    %mul3A_270 = arith.muli %arg1, %mul3A_269 : i32
    %add3A_271 = arith.addi %mul3A_267, %mul3A_270 : i32
    %mul3A_272 = arith.constant 512 : i32
    %mul3A_273 = arith.muli %arg1, %mul3A_272 : i32
    "tpu.region"() ({
      %run_scoped3A = tpu.sem_alloc : memref<!tpu.dma_semaphore, #tpu.memory_space<semaphore_mem>>
      %dma_start3A = arith.constant 0 : i32
      %dma_start3A_520 = tpu.memref_slice %arg6[%mul3A_273, %dma_start3A] : memref<8208x128xf32, #tpu.memory_space<vmem_shared>> -> memref<512x128xf32, #tpu.memory_space<vmem_shared>>
      %dma_start3A_521 = arith.constant 0 : i32
      %dma_start3A_522 = tpu.memref_slice %arg4[%add3A_271, %dma_start3A_521] : memref<65536x128xf32, #tpu.memory_space<hbm>> -> memref<512x128xf32, #tpu.memory_space<hbm>>
      tpu.enqueue_dma source(%dma_start3A_522 : memref<512x128xf32, #tpu.memory_space<hbm>>) target(%dma_start3A_520 : memref<512x128xf32, #tpu.memory_space<vmem_shared>>) target_semaphore(%run_scoped3A : memref<!tpu.dma_semaphore, #tpu.memory_space<semaphore_mem>>)
      %dma_wait3A = arith.constant 0 : i32
      %dma_wait3A_523 = tpu.memref_slice %arg6[%mul3A_273, %dma_wait3A] : memref<8208x128xf32, #tpu.memory_space<vmem_shared>> -> memref<512x128xf32, #tpu.memory_space<vmem_shared>>
      %dma_wait3A_524 = arith.constant 0 : i32
      %dma_wait3A_525 = tpu.memref_slice %arg4[%add3A_271, %dma_wait3A_524] : memref<65536x128xf32, #tpu.memory_space<hbm>> -> memref<512x128xf32, #tpu.memory_space<hbm>>
      tpu.wait_dma2 semaphore(%run_scoped3A : memref<!tpu.dma_semaphore, #tpu.memory_space<semaphore_mem>>) src(%dma_wait3A_525 : memref<512x128xf32, #tpu.memory_space<hbm>>) dst(%dma_wait3A_523 : memref<512x128xf32, #tpu.memory_space<vmem_shared>>)
      tpu.yield
    }) : () -> ()
    %barrier3A_274 = arith.constant 0 : index
    tpu.barrier barrier_id(%barrier3A_274)
    %broadcast_in_dim3A_275 = arith.constant 0 : i32
    %broadcast_in_dim3A_276 = vector.broadcast %broadcast_in_dim3A_275 : i32 to vector<16xi32>
    %add3A_277 = arith.constant 0 : i32
    %add3A_278 = arith.addi %mul3A_0, %add3A_277 : i32
    "tpu.region"() ({
      %run_scoped3A = tpu.sem_alloc : memref<!tpu.dma_semaphore, #tpu.memory_space<semaphore_mem>>
      %dma_start3A = tpu.memref_slice %arg3[%add3A_278] : memref<262144xi32, #tpu.memory_space<hbm>> -> memref<8192xi32, #tpu.memory_space<hbm>>
      %dma_start3A_520 = tpu.memref_slice %arg3[%add3A_278] : memref<262144xi32, #tpu.memory_space<hbm>> -> memref<8192xi32, #tpu.memory_space<hbm>>
      tpu.enqueue_dma source(%dma_start3A_520 : memref<8192xi32, #tpu.memory_space<hbm>>) target(%arg7 : memref<8192xi32, #tpu.memory_space<vmem>>) target_semaphore(%run_scoped3A : memref<!tpu.dma_semaphore, #tpu.memory_space<semaphore_mem>>)
      %dma_wait3A = tpu.memref_slice %arg3[%add3A_278] : memref<262144xi32, #tpu.memory_space<hbm>> -> memref<8192xi32, #tpu.memory_space<hbm>>
      %dma_wait3A_521 = tpu.memref_slice %arg3[%add3A_278] : memref<262144xi32, #tpu.memory_space<hbm>> -> memref<8192xi32, #tpu.memory_space<hbm>>
      tpu.wait_dma2 semaphore(%run_scoped3A : memref<!tpu.dma_semaphore, #tpu.memory_space<semaphore_mem>>) src(%dma_wait3A_521 : memref<8192xi32, #tpu.memory_space<hbm>>) dst(%arg7 : memref<8192xi32, #tpu.memory_space<vmem>>)
      tpu.yield
    }) : () -> ()
    %broadcast_in_dim3A_279 = arith.constant 0 : i32
    %broadcast_in_dim3A_280 = vector.broadcast %broadcast_in_dim3A_279 : i32 to vector<16xi32>
    %add3A_281 = arith.addi %broadcast_in_dim3A_13, %broadcast_in_dim3A_280 : vector<16xi32>
    %scan3A_282 = arith.constant 0 : i32
    %scan3A_283 = arith.constant 512 : i32
    %scan3A_284 = arith.addi %scan3A_282, %scan3A_283 : i32
    %scan3A_285 = arith.constant 1 : i32
    %scan3A_286 = scf.for %scan3A_520 = %scan3A_282 to %scan3A_284 step %scan3A_285 iter_args(%scan3A_521 = %broadcast_in_dim3A_276) -> (vector<16xi32>)  : i32 {
      %mul3A_522 = arith.constant 16 : i32
      %mul3A_523 = arith.muli %scan3A_520, %mul3A_522 : i32
      %get3A = arith.index_cast %mul3A_523 : i32 to index
      %get3A_524 = tpu.vector_load %arg7[%get3A] {strides = array<i32>} : memref<8192xi32, #tpu.memory_space<vmem>>, vector<16xi32>,
      %sub3A = arith.subi %get3A_524, %broadcast_in_dim3A_268 : vector<16xi32>
      %ge3A = arith.cmpi sge, %sub3A, %broadcast_in_dim3A_1 : vector<16xi32>
      %lt3A = arith.cmpi slt, %sub3A, %broadcast_in_dim3A_5 : vector<16xi32>
      %and3A_525 = arith.andi %ge3A, %lt3A : vector<16xi1>
      %convert_element_type3A = arith.extui %and3A_525 : vector<16xi1> to vector<16xi32>
      %broadcast_in_dim3A_526 = arith.constant true
      %broadcast_in_dim3A_527 = vector.broadcast %broadcast_in_dim3A_526 : i1 to vector<16xi1>
      %masked_cumsum3A = tpu.scan <sum>, %convert_element_type3A masked %broadcast_in_dim3A_527 : vector<16xi32>, vector<16xi1> -> vector<16xi32>
      %add3A_528 = arith.addi %scan3A_521, %masked_cumsum3A : vector<16xi32>
      %sub3A_529 = arith.subi %add3A_528, %broadcast_in_dim3A_3 : vector<16xi32>
      %mul3A_530 = arith.constant 16 : i32
      %mul3A_531 = arith.muli %scan3A_520, %mul3A_530 : i32
      %broadcast_in_dim3A_532 = vector.broadcast %mul3A_531 : i32 to vector<16xi32>
      %add3A_533 = arith.addi %add3A_281, %broadcast_in_dim3A_532 : vector<16xi32>
      %add3A_534 = arith.addi %add3A_533, %iota3A : vector<16xi32>
      %shift_right_arithmetic3A_535 = arith.shrsi %sub3A_529, %broadcast_in_dim3A_7 : vector<16xi32>
      %and3A_536 = arith.andi %sub3A_529, %broadcast_in_dim3A_9 : vector<16xi32>
      tpu.vector_store_idx %arg8[%shift_right_arithmetic3A_535, %and3A_536], %add3A_534 masked %and3A_525 : memref<130x128xi32, #tpu.memory_space<vmem>>[vector<16xi32>, vector<16xi32>], vector<16xi32>, vector<16xi1>
      %shift_right_arithmetic3A_537 = arith.shrsi %sub3A_529, %broadcast_in_dim3A_7 : vector<16xi32>
      %and3A_538 = arith.andi %sub3A_529, %broadcast_in_dim3A_9 : vector<16xi32>
      tpu.vector_store_idx %arg9[%shift_right_arithmetic3A_537, %and3A_538], %sub3A masked %and3A_525 : memref<130x128xi32, #tpu.memory_space<vmem>>[vector<16xi32>, vector<16xi32>], vector<16xi32>, vector<16xi1>
      %all_reduce_population_count3A = tpu.all_reduce %and3A_525 {dim = 0 : i64, kind = #tpu.reduction_kind<sum>} : vector<16xi1> -> vector<16xi32>
      %add3A_539 = arith.addi %scan3A_521, %all_reduce_population_count3A : vector<16xi32>
      scf.yield %add3A_539 : vector<16xi32>
    }
    %scan3A_287 = arith.constant 512 : i32
    %add3A_288 = arith.constant 8192 : i32
    %add3A_289 = arith.addi %mul3A_0, %add3A_288 : i32
    "tpu.region"() ({
      %run_scoped3A = tpu.sem_alloc : memref<!tpu.dma_semaphore, #tpu.memory_space<semaphore_mem>>
      %dma_start3A = tpu.memref_slice %arg3[%add3A_289] : memref<262144xi32, #tpu.memory_space<hbm>> -> memref<8192xi32, #tpu.memory_space<hbm>>
      %dma_start3A_520 = tpu.memref_slice %arg3[%add3A_289] : memref<262144xi32, #tpu.memory_space<hbm>> -> memref<8192xi32, #tpu.memory_space<hbm>>
      tpu.enqueue_dma source(%dma_start3A_520 : memref<8192xi32, #tpu.memory_space<hbm>>) target(%arg7 : memref<8192xi32, #tpu.memory_space<vmem>>) target_semaphore(%run_scoped3A : memref<!tpu.dma_semaphore, #tpu.memory_space<semaphore_mem>>)
      %dma_wait3A = tpu.memref_slice %arg3[%add3A_289] : memref<262144xi32, #tpu.memory_space<hbm>> -> memref<8192xi32, #tpu.memory_space<hbm>>
      %dma_wait3A_521 = tpu.memref_slice %arg3[%add3A_289] : memref<262144xi32, #tpu.memory_space<hbm>> -> memref<8192xi32, #tpu.memory_space<hbm>>
      tpu.wait_dma2 semaphore(%run_scoped3A : memref<!tpu.dma_semaphore, #tpu.memory_space<semaphore_mem>>) src(%dma_wait3A_521 : memref<8192xi32, #tpu.memory_space<hbm>>) dst(%arg7 : memref<8192xi32, #tpu.memory_space<vmem>>)
      tpu.yield
    }) : () -> ()
    %broadcast_in_dim3A_290 = arith.constant 8192 : i32
    %broadcast_in_dim3A_291 = vector.broadcast %broadcast_in_dim3A_290 : i32 to vector<16xi32>
    %add3A_292 = arith.addi %broadcast_in_dim3A_13, %broadcast_in_dim3A_291 : vector<16xi32>
    %scan3A_293 = arith.constant 0 : i32
    %scan3A_294 = arith.constant 512 : i32
    %scan3A_295 = arith.addi %scan3A_293, %scan3A_294 : i32
    %scan3A_296 = arith.constant 1 : i32
    %scan3A_297 = scf.for %scan3A_520 = %scan3A_293 to %scan3A_295 step %scan3A_296 iter_args(%scan3A_521 = %scan3A_286) -> (vector<16xi32>)  : i32 {
      %mul3A_522 = arith.constant 16 : i32
      %mul3A_523 = arith.muli %scan3A_520, %mul3A_522 : i32
      %get3A = arith.index_cast %mul3A_523 : i32 to index
      %get3A_524 = tpu.vector_load %arg7[%get3A] {strides = array<i32>} : memref<8192xi32, #tpu.memory_space<vmem>>, vector<16xi32>,
      %sub3A = arith.subi %get3A_524, %broadcast_in_dim3A_268 : vector<16xi32>
      %ge3A = arith.cmpi sge, %sub3A, %broadcast_in_dim3A_1 : vector<16xi32>
      %lt3A = arith.cmpi slt, %sub3A, %broadcast_in_dim3A_5 : vector<16xi32>
      %and3A_525 = arith.andi %ge3A, %lt3A : vector<16xi1>
      %convert_element_type3A = arith.extui %and3A_525 : vector<16xi1> to vector<16xi32>
      %broadcast_in_dim3A_526 = arith.constant true
      %broadcast_in_dim3A_527 = vector.broadcast %broadcast_in_dim3A_526 : i1 to vector<16xi1>
      %masked_cumsum3A = tpu.scan <sum>, %convert_element_type3A masked %broadcast_in_dim3A_527 : vector<16xi32>, vector<16xi1> -> vector<16xi32>
      %add3A_528 = arith.addi %scan3A_521, %masked_cumsum3A : vector<16xi32>
      %sub3A_529 = arith.subi %add3A_528, %broadcast_in_dim3A_3 : vector<16xi32>
      %mul3A_530 = arith.constant 16 : i32
      %mul3A_531 = arith.muli %scan3A_520, %mul3A_530 : i32
      %broadcast_in_dim3A_532 = vector.broadcast %mul3A_531 : i32 to vector<16xi32>
      %add3A_533 = arith.addi %add3A_292, %broadcast_in_dim3A_532 : vector<16xi32>
      %add3A_534 = arith.addi %add3A_533, %iota3A : vector<16xi32>
      %shift_right_arithmetic3A_535 = arith.shrsi %sub3A_529, %broadcast_in_dim3A_7 : vector<16xi32>
      %and3A_536 = arith.andi %sub3A_529, %broadcast_in_dim3A_9 : vector<16xi32>
      tpu.vector_store_idx %arg8[%shift_right_arithmetic3A_535, %and3A_536], %add3A_534 masked %and3A_525 : memref<130x128xi32, #tpu.memory_space<vmem>>[vector<16xi32>, vector<16xi32>], vector<16xi32>, vector<16xi1>
      %shift_right_arithmetic3A_537 = arith.shrsi %sub3A_529, %broadcast_in_dim3A_7 : vector<16xi32>
      %and3A_538 = arith.andi %sub3A_529, %broadcast_in_dim3A_9 : vector<16xi32>
      tpu.vector_store_idx %arg9[%shift_right_arithmetic3A_537, %and3A_538], %sub3A masked %and3A_525 : memref<130x128xi32, #tpu.memory_space<vmem>>[vector<16xi32>, vector<16xi32>], vector<16xi32>, vector<16xi1>
      %all_reduce_population_count3A = tpu.all_reduce %and3A_525 {dim = 0 : i64, kind = #tpu.reduction_kind<sum>} : vector<16xi1> -> vector<16xi32>
      %add3A_539 = arith.addi %scan3A_521, %all_reduce_population_count3A : vector<16xi32>
      scf.yield %add3A_539 : vector<16xi32>
    }
    %scan3A_298 = arith.constant 512 : i32
    %reduce_max3A_299 = arith.constant true
    %reduce_max3A_300 = vector.broadcast %reduce_max3A_299 : i1 to vector<16xi1>
    %reduce_max3A_301 = arith.constant -2147483648 : i32
    %reduce_max3A_302 = vector.broadcast %reduce_max3A_301 : i32 to vector<16xi32>
    %reduce_max3A_303 = arith.xori %scan3A_297, %reduce_max3A_302 : vector<16xi32>
    %reduce_max3A_304 = tpu.scan <max>, %reduce_max3A_303 masked %reduce_max3A_300 : vector<16xi32>, vector<16xi1> -> vector<16xi32>
    %reduce_max3A_305 = arith.xori %reduce_max3A_304, %reduce_max3A_302 : vector<16xi32>
    %reduce_max3A_306 = vector.extract %reduce_max3A_305[15] : i32 from vector<16xi32>
    %broadcast_in_dim3A_307 = vector.broadcast %reduce_max3A_306 : i32 to vector<16xi32>
    %broadcast_in_dim3A_308 = arith.constant 0 : i32
    %broadcast_in_dim3A_309 = vector.broadcast %broadcast_in_dim3A_308 : i32 to vector<16xi32>
    %add3A_310 = arith.addi %iota3A, %broadcast_in_dim3A_309 : vector<16xi32>
    %add3A_311 = arith.addi %broadcast_in_dim3A_307, %add3A_310 : vector<16xi32>
    %shift_right_arithmetic3A_312 = arith.shrsi %add3A_311, %broadcast_in_dim3A_7 : vector<16xi32>
    %and3A_313 = arith.andi %add3A_311, %broadcast_in_dim3A_9 : vector<16xi32>
    tpu.vector_store_idx %arg9[%shift_right_arithmetic3A_312, %and3A_313], %add3A : memref<130x128xi32, #tpu.memory_space<vmem>>[vector<16xi32>, vector<16xi32>], vector<16xi32>,
    %shift_right_arithmetic3A_314 = arith.shrsi %add3A_311, %broadcast_in_dim3A_7 : vector<16xi32>
    %and3A_315 = arith.andi %add3A_311, %broadcast_in_dim3A_9 : vector<16xi32>
    tpu.vector_store_idx %arg8[%shift_right_arithmetic3A_314, %and3A_315], %broadcast_in_dim3A_13 : memref<130x128xi32, #tpu.memory_space<vmem>>[vector<16xi32>, vector<16xi32>], vector<16xi32>,
    %broadcast_in_dim3A_316 = arith.constant 16 : i32
    %broadcast_in_dim3A_317 = vector.broadcast %broadcast_in_dim3A_316 : i32 to vector<16xi32>
    %add3A_318 = arith.addi %iota3A, %broadcast_in_dim3A_317 : vector<16xi32>
    %add3A_319 = arith.addi %broadcast_in_dim3A_307, %add3A_318 : vector<16xi32>
    %shift_right_arithmetic3A_320 = arith.shrsi %add3A_319, %broadcast_in_dim3A_7 : vector<16xi32>
    %and3A_321 = arith.andi %add3A_319, %broadcast_in_dim3A_9 : vector<16xi32>
    tpu.vector_store_idx %arg9[%shift_right_arithmetic3A_320, %and3A_321], %add3A : memref<130x128xi32, #tpu.memory_space<vmem>>[vector<16xi32>, vector<16xi32>], vector<16xi32>,
    %shift_right_arithmetic3A_322 = arith.shrsi %add3A_319, %broadcast_in_dim3A_7 : vector<16xi32>
    %and3A_323 = arith.andi %add3A_319, %broadcast_in_dim3A_9 : vector<16xi32>
    tpu.vector_store_idx %arg8[%shift_right_arithmetic3A_322, %and3A_323], %broadcast_in_dim3A_13 : memref<130x128xi32, #tpu.memory_space<vmem>>[vector<16xi32>, vector<16xi32>], vector<16xi32>,
    %broadcast_in_dim3A_324 = arith.constant 32 : i32
    %broadcast_in_dim3A_325 = vector.broadcast %broadcast_in_dim3A_324 : i32 to vector<16xi32>
    %add3A_326 = arith.addi %iota3A, %broadcast_in_dim3A_325 : vector<16xi32>
    %add3A_327 = arith.addi %broadcast_in_dim3A_307, %add3A_326 : vector<16xi32>
    %shift_right_arithmetic3A_328 = arith.shrsi %add3A_327, %broadcast_in_dim3A_7 : vector<16xi32>
    %and3A_329 = arith.andi %add3A_327, %broadcast_in_dim3A_9 : vector<16xi32>
    tpu.vector_store_idx %arg9[%shift_right_arithmetic3A_328, %and3A_329], %add3A : memref<130x128xi32, #tpu.memory_space<vmem>>[vector<16xi32>, vector<16xi32>], vector<16xi32>,
    %shift_right_arithmetic3A_330 = arith.shrsi %add3A_327, %broadcast_in_dim3A_7 : vector<16xi32>
    %and3A_331 = arith.andi %add3A_327, %broadcast_in_dim3A_9 : vector<16xi32>
    tpu.vector_store_idx %arg8[%shift_right_arithmetic3A_330, %and3A_331], %broadcast_in_dim3A_13 : memref<130x128xi32, #tpu.memory_space<vmem>>[vector<16xi32>, vector<16xi32>], vector<16xi32>,
    %broadcast_in_dim3A_332 = arith.constant 48 : i32
    %broadcast_in_dim3A_333 = vector.broadcast %broadcast_in_dim3A_332 : i32 to vector<16xi32>
    %add3A_334 = arith.addi %iota3A, %broadcast_in_dim3A_333 : vector<16xi32>
    %add3A_335 = arith.addi %broadcast_in_dim3A_307, %add3A_334 : vector<16xi32>
    %shift_right_arithmetic3A_336 = arith.shrsi %add3A_335, %broadcast_in_dim3A_7 : vector<16xi32>
    %and3A_337 = arith.andi %add3A_335, %broadcast_in_dim3A_9 : vector<16xi32>
    tpu.vector_store_idx %arg9[%shift_right_arithmetic3A_336, %and3A_337], %add3A : memref<130x128xi32, #tpu.memory_space<vmem>>[vector<16xi32>, vector<16xi32>], vector<16xi32>,
    %shift_right_arithmetic3A_338 = arith.shrsi %add3A_335, %broadcast_in_dim3A_7 : vector<16xi32>
    %and3A_339 = arith.andi %add3A_335, %broadcast_in_dim3A_9 : vector<16xi32>
    tpu.vector_store_idx %arg8[%shift_right_arithmetic3A_338, %and3A_339], %broadcast_in_dim3A_13 : memref<130x128xi32, #tpu.memory_space<vmem>>[vector<16xi32>, vector<16xi32>], vector<16xi32>,
    %broadcast_in_dim3A_340 = arith.constant 64 : i32
    %broadcast_in_dim3A_341 = vector.broadcast %broadcast_in_dim3A_340 : i32 to vector<16xi32>
    %add3A_342 = arith.addi %iota3A, %broadcast_in_dim3A_341 : vector<16xi32>
    %add3A_343 = arith.addi %broadcast_in_dim3A_307, %add3A_342 : vector<16xi32>
    %shift_right_arithmetic3A_344 = arith.shrsi %add3A_343, %broadcast_in_dim3A_7 : vector<16xi32>
    %and3A_345 = arith.andi %add3A_343, %broadcast_in_dim3A_9 : vector<16xi32>
    tpu.vector_store_idx %arg9[%shift_right_arithmetic3A_344, %and3A_345], %add3A : memref<130x128xi32, #tpu.memory_space<vmem>>[vector<16xi32>, vector<16xi32>], vector<16xi32>,
    %shift_right_arithmetic3A_346 = arith.shrsi %add3A_343, %broadcast_in_dim3A_7 : vector<16xi32>
    %and3A_347 = arith.andi %add3A_343, %broadcast_in_dim3A_9 : vector<16xi32>
    tpu.vector_store_idx %arg8[%shift_right_arithmetic3A_346, %and3A_347], %broadcast_in_dim3A_13 : memref<130x128xi32, #tpu.memory_space<vmem>>[vector<16xi32>, vector<16xi32>], vector<16xi32>,
    %broadcast_in_dim3A_348 = arith.constant 80 : i32
    %broadcast_in_dim3A_349 = vector.broadcast %broadcast_in_dim3A_348 : i32 to vector<16xi32>
    %add3A_350 = arith.addi %iota3A, %broadcast_in_dim3A_349 : vector<16xi32>
    %add3A_351 = arith.addi %broadcast_in_dim3A_307, %add3A_350 : vector<16xi32>
    %shift_right_arithmetic3A_352 = arith.shrsi %add3A_351, %broadcast_in_dim3A_7 : vector<16xi32>
    %and3A_353 = arith.andi %add3A_351, %broadcast_in_dim3A_9 : vector<16xi32>
    tpu.vector_store_idx %arg9[%shift_right_arithmetic3A_352, %and3A_353], %add3A : memref<130x128xi32, #tpu.memory_space<vmem>>[vector<16xi32>, vector<16xi32>], vector<16xi32>,
    %shift_right_arithmetic3A_354 = arith.shrsi %add3A_351, %broadcast_in_dim3A_7 : vector<16xi32>
    %and3A_355 = arith.andi %add3A_351, %broadcast_in_dim3A_9 : vector<16xi32>
    tpu.vector_store_idx %arg8[%shift_right_arithmetic3A_354, %and3A_355], %broadcast_in_dim3A_13 : memref<130x128xi32, #tpu.memory_space<vmem>>[vector<16xi32>, vector<16xi32>], vector<16xi32>,
    %broadcast_in_dim3A_356 = arith.constant 96 : i32
    %broadcast_in_dim3A_357 = vector.broadcast %broadcast_in_dim3A_356 : i32 to vector<16xi32>
    %add3A_358 = arith.addi %iota3A, %broadcast_in_dim3A_357 : vector<16xi32>
    %add3A_359 = arith.addi %broadcast_in_dim3A_307, %add3A_358 : vector<16xi32>
    %shift_right_arithmetic3A_360 = arith.shrsi %add3A_359, %broadcast_in_dim3A_7 : vector<16xi32>
    %and3A_361 = arith.andi %add3A_359, %broadcast_in_dim3A_9 : vector<16xi32>
    tpu.vector_store_idx %arg9[%shift_right_arithmetic3A_360, %and3A_361], %add3A : memref<130x128xi32, #tpu.memory_space<vmem>>[vector<16xi32>, vector<16xi32>], vector<16xi32>,
    %shift_right_arithmetic3A_362 = arith.shrsi %add3A_359, %broadcast_in_dim3A_7 : vector<16xi32>
    %and3A_363 = arith.andi %add3A_359, %broadcast_in_dim3A_9 : vector<16xi32>
    tpu.vector_store_idx %arg8[%shift_right_arithmetic3A_362, %and3A_363], %broadcast_in_dim3A_13 : memref<130x128xi32, #tpu.memory_space<vmem>>[vector<16xi32>, vector<16xi32>], vector<16xi32>,
    %broadcast_in_dim3A_364 = arith.constant 112 : i32
    %broadcast_in_dim3A_365 = vector.broadcast %broadcast_in_dim3A_364 : i32 to vector<16xi32>
    %add3A_366 = arith.addi %iota3A, %broadcast_in_dim3A_365 : vector<16xi32>
    %add3A_367 = arith.addi %broadcast_in_dim3A_307, %add3A_366 : vector<16xi32>
    %shift_right_arithmetic3A_368 = arith.shrsi %add3A_367, %broadcast_in_dim3A_7 : vector<16xi32>
    %and3A_369 = arith.andi %add3A_367, %broadcast_in_dim3A_9 : vector<16xi32>
    tpu.vector_store_idx %arg9[%shift_right_arithmetic3A_368, %and3A_369], %add3A : memref<130x128xi32, #tpu.memory_space<vmem>>[vector<16xi32>, vector<16xi32>], vector<16xi32>,
    %shift_right_arithmetic3A_370 = arith.shrsi %add3A_367, %broadcast_in_dim3A_7 : vector<16xi32>
    %and3A_371 = arith.andi %add3A_367, %broadcast_in_dim3A_9 : vector<16xi32>
    tpu.vector_store_idx %arg8[%shift_right_arithmetic3A_370, %and3A_371], %broadcast_in_dim3A_13 : memref<130x128xi32, #tpu.memory_space<vmem>>[vector<16xi32>, vector<16xi32>], vector<16xi32>,
    %add3A_372 = arith.constant 127 : i32
    %add3A_373 = arith.addi %reduce_max3A_306, %add3A_372 : i32
    %shift_right_arithmetic3A_374 = arith.constant 7 : i32
    %shift_right_arithmetic3A_375 = arith.shrsi %add3A_373, %shift_right_arithmetic3A_374 : i32
    %while3A_376 = arith.constant 0 : i32
    %while3A_377 = arith.constant 0 : i32
    %while3A_378 = arith.subi %shift_right_arithmetic3A_375, %while3A_377 : i32
    %while3A_379 = arith.addi %while3A_377, %while3A_378 : i32
    %while3A_380 = arith.constant 1 : i32
    %while3A_381 = arith.divsi %while3A_378, %while3A_380 : i32
    %while3A_382 = arith.muli %while3A_381, %while3A_380 : i32
    %while3A_383 = arith.addi %while3A_377, %while3A_382 : i32
    %while3A_384 = arith.constant 1 : i32
    scf.for %while3A_520 = %while3A_377 to %while3A_383 step %while3A_384  : i32 {
      %dma_start3A = arith.constant 0 : i32
      %dma_start3A_521 = tpu.memref_slice %arg8[%while3A_520, %dma_start3A] : memref<130x128xi32, #tpu.memory_space<vmem>> -> memref<1x128xi32, #tpu.memory_space<vmem>>
      %dma_start3A_522 = tpu.memref_squeeze %dma_start3A_521 : memref<1x128xi32, #tpu.memory_space<vmem>> -> memref<128xi32, #tpu.memory_space<vmem>>
      %dma_start3A_523 = arith.constant 0 : i32
      %dma_start3A_524 = arith.constant 0 : i32
      %dma_start3A_525 = tpu.memref_slice %arg2[%dma_start3A_523, %dma_start3A_524] : memref<262144x128xf32, #tpu.memory_space<hbm>> -> memref<262144x128xf32, #tpu.memory_space<hbm>>
      tpu.enqueue_indirect_dma source(%dma_start3A_525 : memref<262144x128xf32, #tpu.memory_space<hbm>>) target(%arg10 : memref<128x128xf32, #tpu.memory_space<vmem>>) offsets(%dma_start3A_522 : memref<128xi32, #tpu.memory_space<vmem>>) semaphore(%arg11 : memref<!tpu.dma_semaphore, #tpu.memory_space<semaphore_mem>>)
      %dma_wait3A = arith.constant 0 : i32
      %dma_wait3A_526 = tpu.memref_slice %arg8[%while3A_520, %dma_wait3A] : memref<130x128xi32, #tpu.memory_space<vmem>> -> memref<1x128xi32, #tpu.memory_space<vmem>>
      %dma_wait3A_527 = tpu.memref_squeeze %dma_wait3A_526 : memref<1x128xi32, #tpu.memory_space<vmem>> -> memref<128xi32, #tpu.memory_space<vmem>>
      %dma_wait3A_528 = arith.constant 0 : i32
      %dma_wait3A_529 = arith.constant 0 : i32
      %dma_wait3A_530 = tpu.memref_slice %arg2[%dma_wait3A_528, %dma_wait3A_529] : memref<262144x128xf32, #tpu.memory_space<hbm>> -> memref<262144x128xf32, #tpu.memory_space<hbm>>
      tpu.wait_indirect_dma semaphore(%arg11 : memref<!tpu.dma_semaphore, #tpu.memory_space<semaphore_mem>>) src(%dma_wait3A_530 : memref<262144x128xf32, #tpu.memory_space<hbm>>) dst(%arg10 : memref<128x128xf32, #tpu.memory_space<vmem>>)
      "tpu.region"() ({
        %run_scoped3A = tpu.sem_alloc : memref<!tpu.dma_semaphore, #tpu.memory_space<semaphore_mem>>
        %dma_start3A_531 = arith.constant 0 : i32
        %dma_start3A_532 = tpu.memref_slice %arg9[%while3A_520, %dma_start3A_531] : memref<130x128xi32, #tpu.memory_space<vmem>> -> memref<1x128xi32, #tpu.memory_space<vmem>>
        %dma_start3A_533 = tpu.memref_squeeze %dma_start3A_532 : memref<1x128xi32, #tpu.memory_space<vmem>> -> memref<128xi32, #tpu.memory_space<vmem>>
        %dma_start3A_534 = arith.constant 0 : i32
        %dma_start3A_535 = arith.constant 0 : i32
        %dma_start3A_536 = tpu.memref_slice %arg6[%dma_start3A_534, %dma_start3A_535] : memref<8208x128xf32, #tpu.memory_space<vmem_shared>> -> memref<8208x128xf32, #tpu.memory_space<vmem_shared>>
        tpu.enqueue_indirect_dma source(%arg10 : memref<128x128xf32, #tpu.memory_space<vmem>>) target(%dma_start3A_536 : memref<8208x128xf32, #tpu.memory_space<vmem_shared>>) offsets(%dma_start3A_533 : memref<128xi32, #tpu.memory_space<vmem>>) semaphore(%run_scoped3A : memref<!tpu.dma_semaphore, #tpu.memory_space<semaphore_mem>>) {add = true}
        %dma_wait3A_537 = arith.constant 0 : i32
        %dma_wait3A_538 = tpu.memref_slice %arg9[%while3A_520, %dma_wait3A_537] : memref<130x128xi32, #tpu.memory_space<vmem>> -> memref<1x128xi32, #tpu.memory_space<vmem>>
        %dma_wait3A_539 = tpu.memref_squeeze %dma_wait3A_538 : memref<1x128xi32, #tpu.memory_space<vmem>> -> memref<128xi32, #tpu.memory_space<vmem>>
        %dma_wait3A_540 = arith.constant 0 : i32
        %dma_wait3A_541 = arith.constant 0 : i32
        %dma_wait3A_542 = tpu.memref_slice %arg6[%dma_wait3A_540, %dma_wait3A_541] : memref<8208x128xf32, #tpu.memory_space<vmem_shared>> -> memref<8208x128xf32, #tpu.memory_space<vmem_shared>>
        tpu.wait_indirect_dma semaphore(%run_scoped3A : memref<!tpu.dma_semaphore, #tpu.memory_space<semaphore_mem>>) src(%arg10 : memref<128x128xf32, #tpu.memory_space<vmem>>) dst(%dma_wait3A_542 : memref<8208x128xf32, #tpu.memory_space<vmem_shared>>)
        tpu.yield
      }) : () -> ()
    }
    %while3A_385 = arith.constant 1 : i32
    scf.for %while3A_520 = %while3A_383 to %while3A_379 step %while3A_385  : i32 {
      %dma_start3A = arith.constant 0 : i32
      %dma_start3A_521 = tpu.memref_slice %arg8[%while3A_520, %dma_start3A] : memref<130x128xi32, #tpu.memory_space<vmem>> -> memref<1x128xi32, #tpu.memory_space<vmem>>
      %dma_start3A_522 = tpu.memref_squeeze %dma_start3A_521 : memref<1x128xi32, #tpu.memory_space<vmem>> -> memref<128xi32, #tpu.memory_space<vmem>>
      %dma_start3A_523 = arith.constant 0 : i32
      %dma_start3A_524 = arith.constant 0 : i32
      %dma_start3A_525 = tpu.memref_slice %arg2[%dma_start3A_523, %dma_start3A_524] : memref<262144x128xf32, #tpu.memory_space<hbm>> -> memref<262144x128xf32, #tpu.memory_space<hbm>>
      tpu.enqueue_indirect_dma source(%dma_start3A_525 : memref<262144x128xf32, #tpu.memory_space<hbm>>) target(%arg10 : memref<128x128xf32, #tpu.memory_space<vmem>>) offsets(%dma_start3A_522 : memref<128xi32, #tpu.memory_space<vmem>>) semaphore(%arg11 : memref<!tpu.dma_semaphore, #tpu.memory_space<semaphore_mem>>)
      %dma_wait3A = arith.constant 0 : i32
      %dma_wait3A_526 = tpu.memref_slice %arg8[%while3A_520, %dma_wait3A] : memref<130x128xi32, #tpu.memory_space<vmem>> -> memref<1x128xi32, #tpu.memory_space<vmem>>
      %dma_wait3A_527 = tpu.memref_squeeze %dma_wait3A_526 : memref<1x128xi32, #tpu.memory_space<vmem>> -> memref<128xi32, #tpu.memory_space<vmem>>
      %dma_wait3A_528 = arith.constant 0 : i32
      %dma_wait3A_529 = arith.constant 0 : i32
      %dma_wait3A_530 = tpu.memref_slice %arg2[%dma_wait3A_528, %dma_wait3A_529] : memref<262144x128xf32, #tpu.memory_space<hbm>> -> memref<262144x128xf32, #tpu.memory_space<hbm>>
      tpu.wait_indirect_dma semaphore(%arg11 : memref<!tpu.dma_semaphore, #tpu.memory_space<semaphore_mem>>) src(%dma_wait3A_530 : memref<262144x128xf32, #tpu.memory_space<hbm>>) dst(%arg10 : memref<128x128xf32, #tpu.memory_space<vmem>>)
      "tpu.region"() ({
        %run_scoped3A = tpu.sem_alloc : memref<!tpu.dma_semaphore, #tpu.memory_space<semaphore_mem>>
        %dma_start3A_531 = arith.constant 0 : i32
        %dma_start3A_532 = tpu.memref_slice %arg9[%while3A_520, %dma_start3A_531] : memref<130x128xi32, #tpu.memory_space<vmem>> -> memref<1x128xi32, #tpu.memory_space<vmem>>
        %dma_start3A_533 = tpu.memref_squeeze %dma_start3A_532 : memref<1x128xi32, #tpu.memory_space<vmem>> -> memref<128xi32, #tpu.memory_space<vmem>>
        %dma_start3A_534 = arith.constant 0 : i32
        %dma_start3A_535 = arith.constant 0 : i32
        %dma_start3A_536 = tpu.memref_slice %arg6[%dma_start3A_534, %dma_start3A_535] : memref<8208x128xf32, #tpu.memory_space<vmem_shared>> -> memref<8208x128xf32, #tpu.memory_space<vmem_shared>>
        tpu.enqueue_indirect_dma source(%arg10 : memref<128x128xf32, #tpu.memory_space<vmem>>) target(%dma_start3A_536 : memref<8208x128xf32, #tpu.memory_space<vmem_shared>>) offsets(%dma_start3A_533 : memref<128xi32, #tpu.memory_space<vmem>>) semaphore(%run_scoped3A : memref<!tpu.dma_semaphore, #tpu.memory_space<semaphore_mem>>) {add = true}
        %dma_wait3A_537 = arith.constant 0 : i32
        %dma_wait3A_538 = tpu.memref_slice %arg9[%while3A_520, %dma_wait3A_537] : memref<130x128xi32, #tpu.memory_space<vmem>> -> memref<1x128xi32, #tpu.memory_space<vmem>>
        %dma_wait3A_539 = tpu.memref_squeeze %dma_wait3A_538 : memref<1x128xi32, #tpu.memory_space<vmem>> -> memref<128xi32, #tpu.memory_space<vmem>>
        %dma_wait3A_540 = arith.constant 0 : i32
        %dma_wait3A_541 = arith.constant 0 : i32
        %dma_wait3A_542 = tpu.memref_slice %arg6[%dma_wait3A_540, %dma_wait3A_541] : memref<8208x128xf32, #tpu.memory_space<vmem_shared>> -> memref<8208x128xf32, #tpu.memory_space<vmem_shared>>
        tpu.wait_indirect_dma semaphore(%run_scoped3A : memref<!tpu.dma_semaphore, #tpu.memory_space<semaphore_mem>>) src(%arg10 : memref<128x128xf32, #tpu.memory_space<vmem>>) dst(%dma_wait3A_542 : memref<8208x128xf32, #tpu.memory_space<vmem_shared>>)
        tpu.yield
      }) : () -> ()
    }
    %barrier3A_386 = arith.constant 0 : index
    tpu.barrier barrier_id(%barrier3A_386)
    %mul3A_387 = arith.constant 512 : i32
    %mul3A_388 = arith.muli %arg1, %mul3A_387 : i32
    %mul3A_389 = arith.constant 512 : i32
    %mul3A_390 = arith.muli %arg1, %mul3A_389 : i32
    %add3A_391 = arith.addi %mul3A_267, %mul3A_390 : i32
    "tpu.region"() ({
      %run_scoped3A = tpu.sem_alloc : memref<!tpu.dma_semaphore, #tpu.memory_space<semaphore_mem>>
      %dma_start3A = arith.constant 0 : i32
      %dma_start3A_520 = tpu.memref_slice %arg5[%add3A_391, %dma_start3A] : memref<65536x128xf32, #tpu.memory_space<hbm>> -> memref<512x128xf32, #tpu.memory_space<hbm>>
      %dma_start3A_521 = arith.constant 0 : i32
      %dma_start3A_522 = tpu.memref_slice %arg6[%mul3A_388, %dma_start3A_521] : memref<8208x128xf32, #tpu.memory_space<vmem_shared>> -> memref<512x128xf32, #tpu.memory_space<vmem_shared>>
      tpu.enqueue_dma source(%dma_start3A_522 : memref<512x128xf32, #tpu.memory_space<vmem_shared>>) target(%dma_start3A_520 : memref<512x128xf32, #tpu.memory_space<hbm>>) target_semaphore(%run_scoped3A : memref<!tpu.dma_semaphore, #tpu.memory_space<semaphore_mem>>)
      %dma_wait3A = arith.constant 0 : i32
      %dma_wait3A_523 = tpu.memref_slice %arg5[%add3A_391, %dma_wait3A] : memref<65536x128xf32, #tpu.memory_space<hbm>> -> memref<512x128xf32, #tpu.memory_space<hbm>>
      %dma_wait3A_524 = arith.constant 0 : i32
      %dma_wait3A_525 = tpu.memref_slice %arg6[%mul3A_388, %dma_wait3A_524] : memref<8208x128xf32, #tpu.memory_space<vmem_shared>> -> memref<512x128xf32, #tpu.memory_space<vmem_shared>>
      tpu.wait_dma2 semaphore(%run_scoped3A : memref<!tpu.dma_semaphore, #tpu.memory_space<semaphore_mem>>) src(%dma_wait3A_525 : memref<512x128xf32, #tpu.memory_space<vmem_shared>>) dst(%dma_wait3A_523 : memref<512x128xf32, #tpu.memory_space<hbm>>)
      tpu.yield
    }) : () -> ()
    %add3A_392 = arith.constant 6 : i32
    %add3A_393 = arith.addi %add3A_392, %arg0 : i32
    %mul3A_394 = arith.constant 8192 : i32
    %mul3A_395 = arith.muli %add3A_393, %mul3A_394 : i32
    %broadcast_in_dim3A_396 = vector.broadcast %mul3A_395 : i32 to vector<16xi32>
    %mul3A_397 = arith.constant 512 : i32
    %mul3A_398 = arith.muli %arg1, %mul3A_397 : i32
    %add3A_399 = arith.addi %mul3A_395, %mul3A_398 : i32
    %mul3A_400 = arith.constant 512 : i32
    %mul3A_401 = arith.muli %arg1, %mul3A_400 : i32
    "tpu.region"() ({
      %run_scoped3A = tpu.sem_alloc : memref<!tpu.dma_semaphore, #tpu.memory_space<semaphore_mem>>
      %dma_start3A = arith.constant 0 : i32
      %dma_start3A_520 = tpu.memref_slice %arg6[%mul3A_401, %dma_start3A] : memref<8208x128xf32, #tpu.memory_space<vmem_shared>> -> memref<512x128xf32, #tpu.memory_space<vmem_shared>>
      %dma_start3A_521 = arith.constant 0 : i32
      %dma_start3A_522 = tpu.memref_slice %arg4[%add3A_399, %dma_start3A_521] : memref<65536x128xf32, #tpu.memory_space<hbm>> -> memref<512x128xf32, #tpu.memory_space<hbm>>
      tpu.enqueue_dma source(%dma_start3A_522 : memref<512x128xf32, #tpu.memory_space<hbm>>) target(%dma_start3A_520 : memref<512x128xf32, #tpu.memory_space<vmem_shared>>) target_semaphore(%run_scoped3A : memref<!tpu.dma_semaphore, #tpu.memory_space<semaphore_mem>>)
      %dma_wait3A = arith.constant 0 : i32
      %dma_wait3A_523 = tpu.memref_slice %arg6[%mul3A_401, %dma_wait3A] : memref<8208x128xf32, #tpu.memory_space<vmem_shared>> -> memref<512x128xf32, #tpu.memory_space<vmem_shared>>
      %dma_wait3A_524 = arith.constant 0 : i32
      %dma_wait3A_525 = tpu.memref_slice %arg4[%add3A_399, %dma_wait3A_524] : memref<65536x128xf32, #tpu.memory_space<hbm>> -> memref<512x128xf32, #tpu.memory_space<hbm>>
      tpu.wait_dma2 semaphore(%run_scoped3A : memref<!tpu.dma_semaphore, #tpu.memory_space<semaphore_mem>>) src(%dma_wait3A_525 : memref<512x128xf32, #tpu.memory_space<hbm>>) dst(%dma_wait3A_523 : memref<512x128xf32, #tpu.memory_space<vmem_shared>>)
      tpu.yield
    }) : () -> ()
    %barrier3A_402 = arith.constant 0 : index
    tpu.barrier barrier_id(%barrier3A_402)
    %broadcast_in_dim3A_403 = arith.constant 0 : i32
    %broadcast_in_dim3A_404 = vector.broadcast %broadcast_in_dim3A_403 : i32 to vector<16xi32>
    %add3A_405 = arith.constant 0 : i32
    %add3A_406 = arith.addi %mul3A_0, %add3A_405 : i32
    "tpu.region"() ({
      %run_scoped3A = tpu.sem_alloc : memref<!tpu.dma_semaphore, #tpu.memory_space<semaphore_mem>>
      %dma_start3A = tpu.memref_slice %arg3[%add3A_406] : memref<262144xi32, #tpu.memory_space<hbm>> -> memref<8192xi32, #tpu.memory_space<hbm>>
      %dma_start3A_520 = tpu.memref_slice %arg3[%add3A_406] : memref<262144xi32, #tpu.memory_space<hbm>> -> memref<8192xi32, #tpu.memory_space<hbm>>
      tpu.enqueue_dma source(%dma_start3A_520 : memref<8192xi32, #tpu.memory_space<hbm>>) target(%arg7 : memref<8192xi32, #tpu.memory_space<vmem>>) target_semaphore(%run_scoped3A : memref<!tpu.dma_semaphore, #tpu.memory_space<semaphore_mem>>)
      %dma_wait3A = tpu.memref_slice %arg3[%add3A_406] : memref<262144xi32, #tpu.memory_space<hbm>> -> memref<8192xi32, #tpu.memory_space<hbm>>
      %dma_wait3A_521 = tpu.memref_slice %arg3[%add3A_406] : memref<262144xi32, #tpu.memory_space<hbm>> -> memref<8192xi32, #tpu.memory_space<hbm>>
      tpu.wait_dma2 semaphore(%run_scoped3A : memref<!tpu.dma_semaphore, #tpu.memory_space<semaphore_mem>>) src(%dma_wait3A_521 : memref<8192xi32, #tpu.memory_space<hbm>>) dst(%arg7 : memref<8192xi32, #tpu.memory_space<vmem>>)
      tpu.yield
    }) : () -> ()
    %broadcast_in_dim3A_407 = arith.constant 0 : i32
    %broadcast_in_dim3A_408 = vector.broadcast %broadcast_in_dim3A_407 : i32 to vector<16xi32>
    %add3A_409 = arith.addi %broadcast_in_dim3A_13, %broadcast_in_dim3A_408 : vector<16xi32>
    %scan3A_410 = arith.constant 0 : i32
    %scan3A_411 = arith.constant 512 : i32
    %scan3A_412 = arith.addi %scan3A_410, %scan3A_411 : i32
    %scan3A_413 = arith.constant 1 : i32
    %scan3A_414 = scf.for %scan3A_520 = %scan3A_410 to %scan3A_412 step %scan3A_413 iter_args(%scan3A_521 = %broadcast_in_dim3A_404) -> (vector<16xi32>)  : i32 {
      %mul3A_522 = arith.constant 16 : i32
      %mul3A_523 = arith.muli %scan3A_520, %mul3A_522 : i32
      %get3A = arith.index_cast %mul3A_523 : i32 to index
      %get3A_524 = tpu.vector_load %arg7[%get3A] {strides = array<i32>} : memref<8192xi32, #tpu.memory_space<vmem>>, vector<16xi32>,
      %sub3A = arith.subi %get3A_524, %broadcast_in_dim3A_396 : vector<16xi32>
      %ge3A = arith.cmpi sge, %sub3A, %broadcast_in_dim3A_1 : vector<16xi32>
      %lt3A = arith.cmpi slt, %sub3A, %broadcast_in_dim3A_5 : vector<16xi32>
      %and3A_525 = arith.andi %ge3A, %lt3A : vector<16xi1>
      %convert_element_type3A = arith.extui %and3A_525 : vector<16xi1> to vector<16xi32>
      %broadcast_in_dim3A_526 = arith.constant true
      %broadcast_in_dim3A_527 = vector.broadcast %broadcast_in_dim3A_526 : i1 to vector<16xi1>
      %masked_cumsum3A = tpu.scan <sum>, %convert_element_type3A masked %broadcast_in_dim3A_527 : vector<16xi32>, vector<16xi1> -> vector<16xi32>
      %add3A_528 = arith.addi %scan3A_521, %masked_cumsum3A : vector<16xi32>
      %sub3A_529 = arith.subi %add3A_528, %broadcast_in_dim3A_3 : vector<16xi32>
      %mul3A_530 = arith.constant 16 : i32
      %mul3A_531 = arith.muli %scan3A_520, %mul3A_530 : i32
      %broadcast_in_dim3A_532 = vector.broadcast %mul3A_531 : i32 to vector<16xi32>
      %add3A_533 = arith.addi %add3A_409, %broadcast_in_dim3A_532 : vector<16xi32>
      %add3A_534 = arith.addi %add3A_533, %iota3A : vector<16xi32>
      %shift_right_arithmetic3A_535 = arith.shrsi %sub3A_529, %broadcast_in_dim3A_7 : vector<16xi32>
      %and3A_536 = arith.andi %sub3A_529, %broadcast_in_dim3A_9 : vector<16xi32>
      tpu.vector_store_idx %arg8[%shift_right_arithmetic3A_535, %and3A_536], %add3A_534 masked %and3A_525 : memref<130x128xi32, #tpu.memory_space<vmem>>[vector<16xi32>, vector<16xi32>], vector<16xi32>, vector<16xi1>
      %shift_right_arithmetic3A_537 = arith.shrsi %sub3A_529, %broadcast_in_dim3A_7 : vector<16xi32>
      %and3A_538 = arith.andi %sub3A_529, %broadcast_in_dim3A_9 : vector<16xi32>
      tpu.vector_store_idx %arg9[%shift_right_arithmetic3A_537, %and3A_538], %sub3A masked %and3A_525 : memref<130x128xi32, #tpu.memory_space<vmem>>[vector<16xi32>, vector<16xi32>], vector<16xi32>, vector<16xi1>
      %all_reduce_population_count3A = tpu.all_reduce %and3A_525 {dim = 0 : i64, kind = #tpu.reduction_kind<sum>} : vector<16xi1> -> vector<16xi32>
      %add3A_539 = arith.addi %scan3A_521, %all_reduce_population_count3A : vector<16xi32>
      scf.yield %add3A_539 : vector<16xi32>
    }
    %scan3A_415 = arith.constant 512 : i32
    %add3A_416 = arith.constant 8192 : i32
    %add3A_417 = arith.addi %mul3A_0, %add3A_416 : i32
    "tpu.region"() ({
      %run_scoped3A = tpu.sem_alloc : memref<!tpu.dma_semaphore, #tpu.memory_space<semaphore_mem>>
      %dma_start3A = tpu.memref_slice %arg3[%add3A_417] : memref<262144xi32, #tpu.memory_space<hbm>> -> memref<8192xi32, #tpu.memory_space<hbm>>
      %dma_start3A_520 = tpu.memref_slice %arg3[%add3A_417] : memref<262144xi32, #tpu.memory_space<hbm>> -> memref<8192xi32, #tpu.memory_space<hbm>>
      tpu.enqueue_dma source(%dma_start3A_520 : memref<8192xi32, #tpu.memory_space<hbm>>) target(%arg7 : memref<8192xi32, #tpu.memory_space<vmem>>) target_semaphore(%run_scoped3A : memref<!tpu.dma_semaphore, #tpu.memory_space<semaphore_mem>>)
      %dma_wait3A = tpu.memref_slice %arg3[%add3A_417] : memref<262144xi32, #tpu.memory_space<hbm>> -> memref<8192xi32, #tpu.memory_space<hbm>>
      %dma_wait3A_521 = tpu.memref_slice %arg3[%add3A_417] : memref<262144xi32, #tpu.memory_space<hbm>> -> memref<8192xi32, #tpu.memory_space<hbm>>
      tpu.wait_dma2 semaphore(%run_scoped3A : memref<!tpu.dma_semaphore, #tpu.memory_space<semaphore_mem>>) src(%dma_wait3A_521 : memref<8192xi32, #tpu.memory_space<hbm>>) dst(%arg7 : memref<8192xi32, #tpu.memory_space<vmem>>)
      tpu.yield
    }) : () -> ()
    %broadcast_in_dim3A_418 = arith.constant 8192 : i32
    %broadcast_in_dim3A_419 = vector.broadcast %broadcast_in_dim3A_418 : i32 to vector<16xi32>
    %add3A_420 = arith.addi %broadcast_in_dim3A_13, %broadcast_in_dim3A_419 : vector<16xi32>
    %scan3A_421 = arith.constant 0 : i32
    %scan3A_422 = arith.constant 512 : i32
    %scan3A_423 = arith.addi %scan3A_421, %scan3A_422 : i32
    %scan3A_424 = arith.constant 1 : i32
    %scan3A_425 = scf.for %scan3A_520 = %scan3A_421 to %scan3A_423 step %scan3A_424 iter_args(%scan3A_521 = %scan3A_414) -> (vector<16xi32>)  : i32 {
      %mul3A_522 = arith.constant 16 : i32
      %mul3A_523 = arith.muli %scan3A_520, %mul3A_522 : i32
      %get3A = arith.index_cast %mul3A_523 : i32 to index
      %get3A_524 = tpu.vector_load %arg7[%get3A] {strides = array<i32>} : memref<8192xi32, #tpu.memory_space<vmem>>, vector<16xi32>,
      %sub3A = arith.subi %get3A_524, %broadcast_in_dim3A_396 : vector<16xi32>
      %ge3A = arith.cmpi sge, %sub3A, %broadcast_in_dim3A_1 : vector<16xi32>
      %lt3A = arith.cmpi slt, %sub3A, %broadcast_in_dim3A_5 : vector<16xi32>
      %and3A_525 = arith.andi %ge3A, %lt3A : vector<16xi1>
      %convert_element_type3A = arith.extui %and3A_525 : vector<16xi1> to vector<16xi32>
      %broadcast_in_dim3A_526 = arith.constant true
      %broadcast_in_dim3A_527 = vector.broadcast %broadcast_in_dim3A_526 : i1 to vector<16xi1>
      %masked_cumsum3A = tpu.scan <sum>, %convert_element_type3A masked %broadcast_in_dim3A_527 : vector<16xi32>, vector<16xi1> -> vector<16xi32>
      %add3A_528 = arith.addi %scan3A_521, %masked_cumsum3A : vector<16xi32>
      %sub3A_529 = arith.subi %add3A_528, %broadcast_in_dim3A_3 : vector<16xi32>
      %mul3A_530 = arith.constant 16 : i32
      %mul3A_531 = arith.muli %scan3A_520, %mul3A_530 : i32
      %broadcast_in_dim3A_532 = vector.broadcast %mul3A_531 : i32 to vector<16xi32>
      %add3A_533 = arith.addi %add3A_420, %broadcast_in_dim3A_532 : vector<16xi32>
      %add3A_534 = arith.addi %add3A_533, %iota3A : vector<16xi32>
      %shift_right_arithmetic3A_535 = arith.shrsi %sub3A_529, %broadcast_in_dim3A_7 : vector<16xi32>
      %and3A_536 = arith.andi %sub3A_529, %broadcast_in_dim3A_9 : vector<16xi32>
      tpu.vector_store_idx %arg8[%shift_right_arithmetic3A_535, %and3A_536], %add3A_534 masked %and3A_525 : memref<130x128xi32, #tpu.memory_space<vmem>>[vector<16xi32>, vector<16xi32>], vector<16xi32>, vector<16xi1>
      %shift_right_arithmetic3A_537 = arith.shrsi %sub3A_529, %broadcast_in_dim3A_7 : vector<16xi32>
      %and3A_538 = arith.andi %sub3A_529, %broadcast_in_dim3A_9 : vector<16xi32>
      tpu.vector_store_idx %arg9[%shift_right_arithmetic3A_537, %and3A_538], %sub3A masked %and3A_525 : memref<130x128xi32, #tpu.memory_space<vmem>>[vector<16xi32>, vector<16xi32>], vector<16xi32>, vector<16xi1>
      %all_reduce_population_count3A = tpu.all_reduce %and3A_525 {dim = 0 : i64, kind = #tpu.reduction_kind<sum>} : vector<16xi1> -> vector<16xi32>
      %add3A_539 = arith.addi %scan3A_521, %all_reduce_population_count3A : vector<16xi32>
      scf.yield %add3A_539 : vector<16xi32>
    }
    %scan3A_426 = arith.constant 512 : i32
    %reduce_max3A_427 = arith.constant true
    %reduce_max3A_428 = vector.broadcast %reduce_max3A_427 : i1 to vector<16xi1>
    %reduce_max3A_429 = arith.constant -2147483648 : i32
    %reduce_max3A_430 = vector.broadcast %reduce_max3A_429 : i32 to vector<16xi32>
    %reduce_max3A_431 = arith.xori %scan3A_425, %reduce_max3A_430 : vector<16xi32>
    %reduce_max3A_432 = tpu.scan <max>, %reduce_max3A_431 masked %reduce_max3A_428 : vector<16xi32>, vector<16xi1> -> vector<16xi32>
    %reduce_max3A_433 = arith.xori %reduce_max3A_432, %reduce_max3A_430 : vector<16xi32>
    %reduce_max3A_434 = vector.extract %reduce_max3A_433[15] : i32 from vector<16xi32>
    %broadcast_in_dim3A_435 = vector.broadcast %reduce_max3A_434 : i32 to vector<16xi32>
    %broadcast_in_dim3A_436 = arith.constant 0 : i32
    %broadcast_in_dim3A_437 = vector.broadcast %broadcast_in_dim3A_436 : i32 to vector<16xi32>
    %add3A_438 = arith.addi %iota3A, %broadcast_in_dim3A_437 : vector<16xi32>
    %add3A_439 = arith.addi %broadcast_in_dim3A_435, %add3A_438 : vector<16xi32>
    %shift_right_arithmetic3A_440 = arith.shrsi %add3A_439, %broadcast_in_dim3A_7 : vector<16xi32>
    %and3A_441 = arith.andi %add3A_439, %broadcast_in_dim3A_9 : vector<16xi32>
    tpu.vector_store_idx %arg9[%shift_right_arithmetic3A_440, %and3A_441], %add3A : memref<130x128xi32, #tpu.memory_space<vmem>>[vector<16xi32>, vector<16xi32>], vector<16xi32>,
    %shift_right_arithmetic3A_442 = arith.shrsi %add3A_439, %broadcast_in_dim3A_7 : vector<16xi32>
    %and3A_443 = arith.andi %add3A_439, %broadcast_in_dim3A_9 : vector<16xi32>
    tpu.vector_store_idx %arg8[%shift_right_arithmetic3A_442, %and3A_443], %broadcast_in_dim3A_13 : memref<130x128xi32, #tpu.memory_space<vmem>>[vector<16xi32>, vector<16xi32>], vector<16xi32>,
    %broadcast_in_dim3A_444 = arith.constant 16 : i32
    %broadcast_in_dim3A_445 = vector.broadcast %broadcast_in_dim3A_444 : i32 to vector<16xi32>
    %add3A_446 = arith.addi %iota3A, %broadcast_in_dim3A_445 : vector<16xi32>
    %add3A_447 = arith.addi %broadcast_in_dim3A_435, %add3A_446 : vector<16xi32>
    %shift_right_arithmetic3A_448 = arith.shrsi %add3A_447, %broadcast_in_dim3A_7 : vector<16xi32>
    %and3A_449 = arith.andi %add3A_447, %broadcast_in_dim3A_9 : vector<16xi32>
    tpu.vector_store_idx %arg9[%shift_right_arithmetic3A_448, %and3A_449], %add3A : memref<130x128xi32, #tpu.memory_space<vmem>>[vector<16xi32>, vector<16xi32>], vector<16xi32>,
    %shift_right_arithmetic3A_450 = arith.shrsi %add3A_447, %broadcast_in_dim3A_7 : vector<16xi32>
    %and3A_451 = arith.andi %add3A_447, %broadcast_in_dim3A_9 : vector<16xi32>
    tpu.vector_store_idx %arg8[%shift_right_arithmetic3A_450, %and3A_451], %broadcast_in_dim3A_13 : memref<130x128xi32, #tpu.memory_space<vmem>>[vector<16xi32>, vector<16xi32>], vector<16xi32>,
    %broadcast_in_dim3A_452 = arith.constant 32 : i32
    %broadcast_in_dim3A_453 = vector.broadcast %broadcast_in_dim3A_452 : i32 to vector<16xi32>
    %add3A_454 = arith.addi %iota3A, %broadcast_in_dim3A_453 : vector<16xi32>
    %add3A_455 = arith.addi %broadcast_in_dim3A_435, %add3A_454 : vector<16xi32>
    %shift_right_arithmetic3A_456 = arith.shrsi %add3A_455, %broadcast_in_dim3A_7 : vector<16xi32>
    %and3A_457 = arith.andi %add3A_455, %broadcast_in_dim3A_9 : vector<16xi32>
    tpu.vector_store_idx %arg9[%shift_right_arithmetic3A_456, %and3A_457], %add3A : memref<130x128xi32, #tpu.memory_space<vmem>>[vector<16xi32>, vector<16xi32>], vector<16xi32>,
    %shift_right_arithmetic3A_458 = arith.shrsi %add3A_455, %broadcast_in_dim3A_7 : vector<16xi32>
    %and3A_459 = arith.andi %add3A_455, %broadcast_in_dim3A_9 : vector<16xi32>
    tpu.vector_store_idx %arg8[%shift_right_arithmetic3A_458, %and3A_459], %broadcast_in_dim3A_13 : memref<130x128xi32, #tpu.memory_space<vmem>>[vector<16xi32>, vector<16xi32>], vector<16xi32>,
    %broadcast_in_dim3A_460 = arith.constant 48 : i32
    %broadcast_in_dim3A_461 = vector.broadcast %broadcast_in_dim3A_460 : i32 to vector<16xi32>
    %add3A_462 = arith.addi %iota3A, %broadcast_in_dim3A_461 : vector<16xi32>
    %add3A_463 = arith.addi %broadcast_in_dim3A_435, %add3A_462 : vector<16xi32>
    %shift_right_arithmetic3A_464 = arith.shrsi %add3A_463, %broadcast_in_dim3A_7 : vector<16xi32>
    %and3A_465 = arith.andi %add3A_463, %broadcast_in_dim3A_9 : vector<16xi32>
    tpu.vector_store_idx %arg9[%shift_right_arithmetic3A_464, %and3A_465], %add3A : memref<130x128xi32, #tpu.memory_space<vmem>>[vector<16xi32>, vector<16xi32>], vector<16xi32>,
    %shift_right_arithmetic3A_466 = arith.shrsi %add3A_463, %broadcast_in_dim3A_7 : vector<16xi32>
    %and3A_467 = arith.andi %add3A_463, %broadcast_in_dim3A_9 : vector<16xi32>
    tpu.vector_store_idx %arg8[%shift_right_arithmetic3A_466, %and3A_467], %broadcast_in_dim3A_13 : memref<130x128xi32, #tpu.memory_space<vmem>>[vector<16xi32>, vector<16xi32>], vector<16xi32>,
    %broadcast_in_dim3A_468 = arith.constant 64 : i32
    %broadcast_in_dim3A_469 = vector.broadcast %broadcast_in_dim3A_468 : i32 to vector<16xi32>
    %add3A_470 = arith.addi %iota3A, %broadcast_in_dim3A_469 : vector<16xi32>
    %add3A_471 = arith.addi %broadcast_in_dim3A_435, %add3A_470 : vector<16xi32>
    %shift_right_arithmetic3A_472 = arith.shrsi %add3A_471, %broadcast_in_dim3A_7 : vector<16xi32>
    %and3A_473 = arith.andi %add3A_471, %broadcast_in_dim3A_9 : vector<16xi32>
    tpu.vector_store_idx %arg9[%shift_right_arithmetic3A_472, %and3A_473], %add3A : memref<130x128xi32, #tpu.memory_space<vmem>>[vector<16xi32>, vector<16xi32>], vector<16xi32>,
    %shift_right_arithmetic3A_474 = arith.shrsi %add3A_471, %broadcast_in_dim3A_7 : vector<16xi32>
    %and3A_475 = arith.andi %add3A_471, %broadcast_in_dim3A_9 : vector<16xi32>
    tpu.vector_store_idx %arg8[%shift_right_arithmetic3A_474, %and3A_475], %broadcast_in_dim3A_13 : memref<130x128xi32, #tpu.memory_space<vmem>>[vector<16xi32>, vector<16xi32>], vector<16xi32>,
    %broadcast_in_dim3A_476 = arith.constant 80 : i32
    %broadcast_in_dim3A_477 = vector.broadcast %broadcast_in_dim3A_476 : i32 to vector<16xi32>
    %add3A_478 = arith.addi %iota3A, %broadcast_in_dim3A_477 : vector<16xi32>
    %add3A_479 = arith.addi %broadcast_in_dim3A_435, %add3A_478 : vector<16xi32>
    %shift_right_arithmetic3A_480 = arith.shrsi %add3A_479, %broadcast_in_dim3A_7 : vector<16xi32>
    %and3A_481 = arith.andi %add3A_479, %broadcast_in_dim3A_9 : vector<16xi32>
    tpu.vector_store_idx %arg9[%shift_right_arithmetic3A_480, %and3A_481], %add3A : memref<130x128xi32, #tpu.memory_space<vmem>>[vector<16xi32>, vector<16xi32>], vector<16xi32>,
    %shift_right_arithmetic3A_482 = arith.shrsi %add3A_479, %broadcast_in_dim3A_7 : vector<16xi32>
    %and3A_483 = arith.andi %add3A_479, %broadcast_in_dim3A_9 : vector<16xi32>
    tpu.vector_store_idx %arg8[%shift_right_arithmetic3A_482, %and3A_483], %broadcast_in_dim3A_13 : memref<130x128xi32, #tpu.memory_space<vmem>>[vector<16xi32>, vector<16xi32>], vector<16xi32>,
    %broadcast_in_dim3A_484 = arith.constant 96 : i32
    %broadcast_in_dim3A_485 = vector.broadcast %broadcast_in_dim3A_484 : i32 to vector<16xi32>
    %add3A_486 = arith.addi %iota3A, %broadcast_in_dim3A_485 : vector<16xi32>
    %add3A_487 = arith.addi %broadcast_in_dim3A_435, %add3A_486 : vector<16xi32>
    %shift_right_arithmetic3A_488 = arith.shrsi %add3A_487, %broadcast_in_dim3A_7 : vector<16xi32>
    %and3A_489 = arith.andi %add3A_487, %broadcast_in_dim3A_9 : vector<16xi32>
    tpu.vector_store_idx %arg9[%shift_right_arithmetic3A_488, %and3A_489], %add3A : memref<130x128xi32, #tpu.memory_space<vmem>>[vector<16xi32>, vector<16xi32>], vector<16xi32>,
    %shift_right_arithmetic3A_490 = arith.shrsi %add3A_487, %broadcast_in_dim3A_7 : vector<16xi32>
    %and3A_491 = arith.andi %add3A_487, %broadcast_in_dim3A_9 : vector<16xi32>
    tpu.vector_store_idx %arg8[%shift_right_arithmetic3A_490, %and3A_491], %broadcast_in_dim3A_13 : memref<130x128xi32, #tpu.memory_space<vmem>>[vector<16xi32>, vector<16xi32>], vector<16xi32>,
    %broadcast_in_dim3A_492 = arith.constant 112 : i32
    %broadcast_in_dim3A_493 = vector.broadcast %broadcast_in_dim3A_492 : i32 to vector<16xi32>
    %add3A_494 = arith.addi %iota3A, %broadcast_in_dim3A_493 : vector<16xi32>
    %add3A_495 = arith.addi %broadcast_in_dim3A_435, %add3A_494 : vector<16xi32>
    %shift_right_arithmetic3A_496 = arith.shrsi %add3A_495, %broadcast_in_dim3A_7 : vector<16xi32>
    %and3A_497 = arith.andi %add3A_495, %broadcast_in_dim3A_9 : vector<16xi32>
    tpu.vector_store_idx %arg9[%shift_right_arithmetic3A_496, %and3A_497], %add3A : memref<130x128xi32, #tpu.memory_space<vmem>>[vector<16xi32>, vector<16xi32>], vector<16xi32>,
    %shift_right_arithmetic3A_498 = arith.shrsi %add3A_495, %broadcast_in_dim3A_7 : vector<16xi32>
    %and3A_499 = arith.andi %add3A_495, %broadcast_in_dim3A_9 : vector<16xi32>
    tpu.vector_store_idx %arg8[%shift_right_arithmetic3A_498, %and3A_499], %broadcast_in_dim3A_13 : memref<130x128xi32, #tpu.memory_space<vmem>>[vector<16xi32>, vector<16xi32>], vector<16xi32>,
    %add3A_500 = arith.constant 127 : i32
    %add3A_501 = arith.addi %reduce_max3A_434, %add3A_500 : i32
    %shift_right_arithmetic3A_502 = arith.constant 7 : i32
    %shift_right_arithmetic3A_503 = arith.shrsi %add3A_501, %shift_right_arithmetic3A_502 : i32
    %while3A_504 = arith.constant 0 : i32
    %while3A_505 = arith.constant 0 : i32
    %while3A_506 = arith.subi %shift_right_arithmetic3A_503, %while3A_505 : i32
    %while3A_507 = arith.addi %while3A_505, %while3A_506 : i32
    %while3A_508 = arith.constant 1 : i32
    %while3A_509 = arith.divsi %while3A_506, %while3A_508 : i32
    %while3A_510 = arith.muli %while3A_509, %while3A_508 : i32
    %while3A_511 = arith.addi %while3A_505, %while3A_510 : i32
    %while3A_512 = arith.constant 1 : i32
    scf.for %while3A_520 = %while3A_505 to %while3A_511 step %while3A_512  : i32 {
      %dma_start3A = arith.constant 0 : i32
      %dma_start3A_521 = tpu.memref_slice %arg8[%while3A_520, %dma_start3A] : memref<130x128xi32, #tpu.memory_space<vmem>> -> memref<1x128xi32, #tpu.memory_space<vmem>>
      %dma_start3A_522 = tpu.memref_squeeze %dma_start3A_521 : memref<1x128xi32, #tpu.memory_space<vmem>> -> memref<128xi32, #tpu.memory_space<vmem>>
      %dma_start3A_523 = arith.constant 0 : i32
      %dma_start3A_524 = arith.constant 0 : i32
      %dma_start3A_525 = tpu.memref_slice %arg2[%dma_start3A_523, %dma_start3A_524] : memref<262144x128xf32, #tpu.memory_space<hbm>> -> memref<262144x128xf32, #tpu.memory_space<hbm>>
      tpu.enqueue_indirect_dma source(%dma_start3A_525 : memref<262144x128xf32, #tpu.memory_space<hbm>>) target(%arg10 : memref<128x128xf32, #tpu.memory_space<vmem>>) offsets(%dma_start3A_522 : memref<128xi32, #tpu.memory_space<vmem>>) semaphore(%arg11 : memref<!tpu.dma_semaphore, #tpu.memory_space<semaphore_mem>>)
      %dma_wait3A = arith.constant 0 : i32
      %dma_wait3A_526 = tpu.memref_slice %arg8[%while3A_520, %dma_wait3A] : memref<130x128xi32, #tpu.memory_space<vmem>> -> memref<1x128xi32, #tpu.memory_space<vmem>>
      %dma_wait3A_527 = tpu.memref_squeeze %dma_wait3A_526 : memref<1x128xi32, #tpu.memory_space<vmem>> -> memref<128xi32, #tpu.memory_space<vmem>>
      %dma_wait3A_528 = arith.constant 0 : i32
      %dma_wait3A_529 = arith.constant 0 : i32
      %dma_wait3A_530 = tpu.memref_slice %arg2[%dma_wait3A_528, %dma_wait3A_529] : memref<262144x128xf32, #tpu.memory_space<hbm>> -> memref<262144x128xf32, #tpu.memory_space<hbm>>
      tpu.wait_indirect_dma semaphore(%arg11 : memref<!tpu.dma_semaphore, #tpu.memory_space<semaphore_mem>>) src(%dma_wait3A_530 : memref<262144x128xf32, #tpu.memory_space<hbm>>) dst(%arg10 : memref<128x128xf32, #tpu.memory_space<vmem>>)
      "tpu.region"() ({
        %run_scoped3A = tpu.sem_alloc : memref<!tpu.dma_semaphore, #tpu.memory_space<semaphore_mem>>
        %dma_start3A_531 = arith.constant 0 : i32
        %dma_start3A_532 = tpu.memref_slice %arg9[%while3A_520, %dma_start3A_531] : memref<130x128xi32, #tpu.memory_space<vmem>> -> memref<1x128xi32, #tpu.memory_space<vmem>>
        %dma_start3A_533 = tpu.memref_squeeze %dma_start3A_532 : memref<1x128xi32, #tpu.memory_space<vmem>> -> memref<128xi32, #tpu.memory_space<vmem>>
        %dma_start3A_534 = arith.constant 0 : i32
        %dma_start3A_535 = arith.constant 0 : i32
        %dma_start3A_536 = tpu.memref_slice %arg6[%dma_start3A_534, %dma_start3A_535] : memref<8208x128xf32, #tpu.memory_space<vmem_shared>> -> memref<8208x128xf32, #tpu.memory_space<vmem_shared>>
        tpu.enqueue_indirect_dma source(%arg10 : memref<128x128xf32, #tpu.memory_space<vmem>>) target(%dma_start3A_536 : memref<8208x128xf32, #tpu.memory_space<vmem_shared>>) offsets(%dma_start3A_533 : memref<128xi32, #tpu.memory_space<vmem>>) semaphore(%run_scoped3A : memref<!tpu.dma_semaphore, #tpu.memory_space<semaphore_mem>>) {add = true}
        %dma_wait3A_537 = arith.constant 0 : i32
        %dma_wait3A_538 = tpu.memref_slice %arg9[%while3A_520, %dma_wait3A_537] : memref<130x128xi32, #tpu.memory_space<vmem>> -> memref<1x128xi32, #tpu.memory_space<vmem>>
        %dma_wait3A_539 = tpu.memref_squeeze %dma_wait3A_538 : memref<1x128xi32, #tpu.memory_space<vmem>> -> memref<128xi32, #tpu.memory_space<vmem>>
        %dma_wait3A_540 = arith.constant 0 : i32
        %dma_wait3A_541 = arith.constant 0 : i32
        %dma_wait3A_542 = tpu.memref_slice %arg6[%dma_wait3A_540, %dma_wait3A_541] : memref<8208x128xf32, #tpu.memory_space<vmem_shared>> -> memref<8208x128xf32, #tpu.memory_space<vmem_shared>>
        tpu.wait_indirect_dma semaphore(%run_scoped3A : memref<!tpu.dma_semaphore, #tpu.memory_space<semaphore_mem>>) src(%arg10 : memref<128x128xf32, #tpu.memory_space<vmem>>) dst(%dma_wait3A_542 : memref<8208x128xf32, #tpu.memory_space<vmem_shared>>)
        tpu.yield
      }) : () -> ()
    }
    %while3A_513 = arith.constant 1 : i32
    scf.for %while3A_520 = %while3A_511 to %while3A_507 step %while3A_513  : i32 {
      %dma_start3A = arith.constant 0 : i32
      %dma_start3A_521 = tpu.memref_slice %arg8[%while3A_520, %dma_start3A] : memref<130x128xi32, #tpu.memory_space<vmem>> -> memref<1x128xi32, #tpu.memory_space<vmem>>
      %dma_start3A_522 = tpu.memref_squeeze %dma_start3A_521 : memref<1x128xi32, #tpu.memory_space<vmem>> -> memref<128xi32, #tpu.memory_space<vmem>>
      %dma_start3A_523 = arith.constant 0 : i32
      %dma_start3A_524 = arith.constant 0 : i32
      %dma_start3A_525 = tpu.memref_slice %arg2[%dma_start3A_523, %dma_start3A_524] : memref<262144x128xf32, #tpu.memory_space<hbm>> -> memref<262144x128xf32, #tpu.memory_space<hbm>>
      tpu.enqueue_indirect_dma source(%dma_start3A_525 : memref<262144x128xf32, #tpu.memory_space<hbm>>) target(%arg10 : memref<128x128xf32, #tpu.memory_space<vmem>>) offsets(%dma_start3A_522 : memref<128xi32, #tpu.memory_space<vmem>>) semaphore(%arg11 : memref<!tpu.dma_semaphore, #tpu.memory_space<semaphore_mem>>)
      %dma_wait3A = arith.constant 0 : i32
      %dma_wait3A_526 = tpu.memref_slice %arg8[%while3A_520, %dma_wait3A] : memref<130x128xi32, #tpu.memory_space<vmem>> -> memref<1x128xi32, #tpu.memory_space<vmem>>
      %dma_wait3A_527 = tpu.memref_squeeze %dma_wait3A_526 : memref<1x128xi32, #tpu.memory_space<vmem>> -> memref<128xi32, #tpu.memory_space<vmem>>
      %dma_wait3A_528 = arith.constant 0 : i32
      %dma_wait3A_529 = arith.constant 0 : i32
      %dma_wait3A_530 = tpu.memref_slice %arg2[%dma_wait3A_528, %dma_wait3A_529] : memref<262144x128xf32, #tpu.memory_space<hbm>> -> memref<262144x128xf32, #tpu.memory_space<hbm>>
      tpu.wait_indirect_dma semaphore(%arg11 : memref<!tpu.dma_semaphore, #tpu.memory_space<semaphore_mem>>) src(%dma_wait3A_530 : memref<262144x128xf32, #tpu.memory_space<hbm>>) dst(%arg10 : memref<128x128xf32, #tpu.memory_space<vmem>>)
      "tpu.region"() ({
        %run_scoped3A = tpu.sem_alloc : memref<!tpu.dma_semaphore, #tpu.memory_space<semaphore_mem>>
        %dma_start3A_531 = arith.constant 0 : i32
        %dma_start3A_532 = tpu.memref_slice %arg9[%while3A_520, %dma_start3A_531] : memref<130x128xi32, #tpu.memory_space<vmem>> -> memref<1x128xi32, #tpu.memory_space<vmem>>
        %dma_start3A_533 = tpu.memref_squeeze %dma_start3A_532 : memref<1x128xi32, #tpu.memory_space<vmem>> -> memref<128xi32, #tpu.memory_space<vmem>>
        %dma_start3A_534 = arith.constant 0 : i32
        %dma_start3A_535 = arith.constant 0 : i32
        %dma_start3A_536 = tpu.memref_slice %arg6[%dma_start3A_534, %dma_start3A_535] : memref<8208x128xf32, #tpu.memory_space<vmem_shared>> -> memref<8208x128xf32, #tpu.memory_space<vmem_shared>>
        tpu.enqueue_indirect_dma source(%arg10 : memref<128x128xf32, #tpu.memory_space<vmem>>) target(%dma_start3A_536 : memref<8208x128xf32, #tpu.memory_space<vmem_shared>>) offsets(%dma_start3A_533 : memref<128xi32, #tpu.memory_space<vmem>>) semaphore(%run_scoped3A : memref<!tpu.dma_semaphore, #tpu.memory_space<semaphore_mem>>) {add = true}
        %dma_wait3A_537 = arith.constant 0 : i32
        %dma_wait3A_538 = tpu.memref_slice %arg9[%while3A_520, %dma_wait3A_537] : memref<130x128xi32, #tpu.memory_space<vmem>> -> memref<1x128xi32, #tpu.memory_space<vmem>>
        %dma_wait3A_539 = tpu.memref_squeeze %dma_wait3A_538 : memref<1x128xi32, #tpu.memory_space<vmem>> -> memref<128xi32, #tpu.memory_space<vmem>>
        %dma_wait3A_540 = arith.constant 0 : i32
        %dma_wait3A_541 = arith.constant 0 : i32
        %dma_wait3A_542 = tpu.memref_slice %arg6[%dma_wait3A_540, %dma_wait3A_541] : memref<8208x128xf32, #tpu.memory_space<vmem_shared>> -> memref<8208x128xf32, #tpu.memory_space<vmem_shared>>
        tpu.wait_indirect_dma semaphore(%run_scoped3A : memref<!tpu.dma_semaphore, #tpu.memory_space<semaphore_mem>>) src(%arg10 : memref<128x128xf32, #tpu.memory_space<vmem>>) dst(%dma_wait3A_542 : memref<8208x128xf32, #tpu.memory_space<vmem_shared>>)
        tpu.yield
      }) : () -> ()
    }
    %barrier3A_514 = arith.constant 0 : index
    tpu.barrier barrier_id(%barrier3A_514)
    %mul3A_515 = arith.constant 512 : i32
    %mul3A_516 = arith.muli %arg1, %mul3A_515 : i32
    %mul3A_517 = arith.constant 512 : i32
    %mul3A_518 = arith.muli %arg1, %mul3A_517 : i32
    %add3A_519 = arith.addi %mul3A_395, %mul3A_518 : i32
    "tpu.region"() ({
      %run_scoped3A = tpu.sem_alloc : memref<!tpu.dma_semaphore, #tpu.memory_space<semaphore_mem>>
      %dma_start3A = arith.constant 0 : i32
      %dma_start3A_520 = tpu.memref_slice %arg5[%add3A_519, %dma_start3A] : memref<65536x128xf32, #tpu.memory_space<hbm>> -> memref<512x128xf32, #tpu.memory_space<hbm>>
      %dma_start3A_521 = arith.constant 0 : i32
      %dma_start3A_522 = tpu.memref_slice %arg6[%mul3A_516, %dma_start3A_521] : memref<8208x128xf32, #tpu.memory_space<vmem_shared>> -> memref<512x128xf32, #tpu.memory_space<vmem_shared>>
      tpu.enqueue_dma source(%dma_start3A_522 : memref<512x128xf32, #tpu.memory_space<vmem_shared>>) target(%dma_start3A_520 : memref<512x128xf32, #tpu.memory_space<hbm>>) target_semaphore(%run_scoped3A : memref<!tpu.dma_semaphore, #tpu.memory_space<semaphore_mem>>)
      %dma_wait3A = arith.constant 0 : i32
      %dma_wait3A_523 = tpu.memref_slice %arg5[%add3A_519, %dma_wait3A] : memref<65536x128xf32, #tpu.memory_space<hbm>> -> memref<512x128xf32, #tpu.memory_space<hbm>>
      %dma_wait3A_524 = arith.constant 0 : i32
      %dma_wait3A_525 = tpu.memref_slice %arg6[%mul3A_516, %dma_wait3A_524] : memref<8208x128xf32, #tpu.memory_space<vmem_shared>> -> memref<512x128xf32, #tpu.memory_space<vmem_shared>>
      tpu.wait_dma2 semaphore(%run_scoped3A : memref<!tpu.dma_semaphore, #tpu.memory_space<semaphore_mem>>) src(%dma_wait3A_525 : memref<512x128xf32, #tpu.memory_space<vmem_shared>>) dst(%dma_wait3A_523 : memref<512x128xf32, #tpu.memory_space<hbm>>)
      tpu.yield
    }) : () -> ()
    return
  }
}

module attributes {stable_mosaic.version = 14 : i64} {
  func.func @_head_body(%arg0: i32, %arg1: memref<8192x128xf32, #tpu.memory_space<vmem>>, %arg2: memref<128x21xf32, #tpu.memory_space<vmem>>, %arg3: memref<1x21xf32, #tpu.memory_space<vmem>>, %arg4: memref<8192x21xf32, #tpu.memory_space<vmem>>) attributes {dimension_semantics = [#tpu.dimension_semantics<arbitrary>], iteration_bounds = array<i64: 8>, scalar_prefetch = 0 : i64, scratch_operands = 0 : i64, tpu.core_type = #tpu.core_type<tc>, window_params = [{transform_indices = @transform_0, window_bounds = array<i64: 8192, 128>}, {pipeline_mode = #tpu.pipeline_mode<synchronous>, transform_indices = @transform_1, window_bounds = array<i64: 128, 21>}, {pipeline_mode = #tpu.pipeline_mode<synchronous>, transform_indices = @transform_2, window_bounds = array<i64: 1, 21>}, {transform_indices = @transform_3, window_bounds = array<i64: 8192, 21>}]} {
    %get3A = arith.constant 0 : index
    %get3A_0 = arith.constant 0 : index
    %get3A_1 = vector.load %arg1[%get3A, %get3A_0] : memref<8192x128xf32, #tpu.memory_space<vmem>>, vector<8192x128xf32>
    %get3A_2 = arith.constant 0 : index
    %get3A_3 = arith.constant 0 : index
    %get3A_4 = vector.load %arg2[%get3A_2, %get3A_3] : memref<128x21xf32, #tpu.memory_space<vmem>>, vector<128x21xf32>
    %dot_general3A = arith.constant dense<0.000000e+00> : vector<8192x21xf32>
    %dot_general3A_5 = tpu.matmul %get3A_1, %get3A_4, %dot_general3A {dimension_numbers = #tpu.dot_dimension_numbers<[1], [0], [0], [1], [0, 0, 1, 1], [], []>, transpose_lhs_hint = false} : vector<8192x128xf32>, vector<128x21xf32>, vector<8192x21xf32> -> vector<8192x21xf32>
    %get3A_6 = arith.constant 0 : index
    %get3A_7 = arith.constant 0 : index
    %get3A_8 = vector.load %arg3[%get3A_6, %get3A_7] : memref<1x21xf32, #tpu.memory_space<vmem>>, vector<1x21xf32>
    %add3A = vector.broadcast %get3A_8 : vector<1x21xf32> to vector<8192x21xf32>
    %add3A_9 = arith.addf %dot_general3A_5, %add3A : vector<8192x21xf32>
    %swap3A = arith.constant 0 : index
    %swap3A_10 = arith.constant 0 : index
    %swap3A_11 = vector.load %arg4[%swap3A, %swap3A_10] : memref<8192x21xf32, #tpu.memory_space<vmem>>, vector<8192x21xf32>
    tpu.vector_store %arg4[%swap3A, %swap3A_10], %add3A_9 {strides = array<i32>} : memref<8192x21xf32, #tpu.memory_space<vmem>>, vector<8192x21xf32>,
    return
  }
  func.func @transform_0(%arg0: i32) -> (i32, i32) {
    %c0_i32 = arith.constant 0 : i32
    %c0_i32_0 = arith.constant 0 : i32
    return %arg0, %c0_i32 : i32, i32
  }
  func.func @transform_1(%arg0: i32) -> (i32, i32) {
    %c0_i32 = arith.constant 0 : i32
    %c0_i32_0 = arith.constant 0 : i32
    %c0_i32_1 = arith.constant 0 : i32
    return %c0_i32, %c0_i32_0 : i32, i32
  }
  func.func @transform_2(%arg0: i32) -> (i32, i32) {
    %c0_i32 = arith.constant 0 : i32
    %c0_i32_0 = arith.constant 0 : i32
    %c0_i32_1 = arith.constant 0 : i32
    return %c0_i32, %c0_i32_0 : i32, i32
  }
  func.func @transform_3(%arg0: i32) -> (i32, i32) {
    %c0_i32 = arith.constant 0 : i32
    %c0_i32_0 = arith.constant 0 : i32
    return %arg0, %c0_i32 : i32, i32
  }
}

module attributes {stable_mosaic.version = 14 : i64} {
  func.func @_proj_body(%arg0: i32, %arg1: memref<4096x128xf32, #tpu.memory_space<vmem>>, %arg2: memref<4096x1xf32, #tpu.memory_space<vmem>>, %arg3: memref<1x128xf32, #tpu.memory_space<vmem>>, %arg4: memref<1x128xf32, #tpu.memory_space<vmem>>, %arg5: memref<128x128xf32, #tpu.memory_space<vmem>>, %arg6: memref<1x128xf32, #tpu.memory_space<vmem>>, %arg7: memref<4096x128xf32, #tpu.memory_space<vmem>>) attributes {dimension_semantics = [#tpu.dimension_semantics<arbitrary>], iteration_bounds = array<i64: 64>, scalar_prefetch = 0 : i64, scratch_operands = 0 : i64, tpu.core_type = #tpu.core_type<tc>, window_params = [{transform_indices = @transform_0, window_bounds = array<i64: 4096, 128>}, {transform_indices = @transform_1, window_bounds = array<i64: 4096, 1>}, {pipeline_mode = #tpu.pipeline_mode<synchronous>, transform_indices = @transform_2, window_bounds = array<i64: 1, 128>}, {pipeline_mode = #tpu.pipeline_mode<synchronous>, transform_indices = @transform_3, window_bounds = array<i64: 1, 128>}, {pipeline_mode = #tpu.pipeline_mode<synchronous>, transform_indices = @transform_4, window_bounds = array<i64: 128, 128>}, {pipeline_mode = #tpu.pipeline_mode<synchronous>, transform_indices = @transform_5, window_bounds = array<i64: 1, 128>}, {transform_indices = @transform_6, window_bounds = array<i64: 4096, 128>}]} {
    %get3A = arith.constant 0 : index
    %get3A_0 = arith.constant 0 : index
    %get3A_1 = vector.load %arg1[%get3A, %get3A_0] : memref<4096x128xf32, #tpu.memory_space<vmem>>, vector<4096x128xf32>
    %reduce_sum3A = arith.constant dense<0.000000e+00> : vector<4096xf32>
    %reduce_sum3A_2 = vector.multi_reduction <add>, %get3A_1, %reduce_sum3A [1] : vector<4096x128xf32> to vector<4096xf32>
    %broadcast_in_dim3A = vector.shape_cast %reduce_sum3A_2 : vector<4096xf32> to vector<4096x1xf32>
    %div3A = arith.constant 1.280000e+02 : f32
    %div3A_3 = vector.broadcast %div3A : f32 to vector<4096x1xf32>
    %div3A_4 = arith.divf %broadcast_in_dim3A, %div3A_3 : vector<4096x1xf32>
    %sub3A = vector.broadcast %div3A_4 : vector<4096x1xf32> to vector<4096x128xf32>
    %sub3A_5 = arith.subf %get3A_1, %sub3A : vector<4096x128xf32>
    %mul3A = arith.mulf %sub3A_5, %sub3A_5 : vector<4096x128xf32>
    %reduce_sum3A_6 = arith.constant dense<0.000000e+00> : vector<4096xf32>
    %reduce_sum3A_7 = vector.multi_reduction <add>, %mul3A, %reduce_sum3A_6 [1] : vector<4096x128xf32> to vector<4096xf32>
    %broadcast_in_dim3A_8 = vector.shape_cast %reduce_sum3A_7 : vector<4096xf32> to vector<4096x1xf32>
    %div3A_9 = arith.constant 1.280000e+02 : f32
    %div3A_10 = vector.broadcast %div3A_9 : f32 to vector<4096x1xf32>
    %div3A_11 = arith.divf %broadcast_in_dim3A_8, %div3A_10 : vector<4096x1xf32>
    %add3A = arith.constant 9.99999974E-6 : f32
    %add3A_12 = vector.broadcast %add3A : f32 to vector<4096x1xf32>
    %add3A_13 = arith.addf %div3A_11, %add3A_12 : vector<4096x1xf32>
    %rsqrt3A = math.rsqrt %add3A_13 : vector<4096x1xf32>
    %mul3A_14 = vector.broadcast %rsqrt3A : vector<4096x1xf32> to vector<4096x128xf32>
    %mul3A_15 = arith.mulf %sub3A_5, %mul3A_14 : vector<4096x128xf32>
    %get3A_16 = arith.constant 0 : index
    %get3A_17 = arith.constant 0 : index
    %get3A_18 = vector.load %arg3[%get3A_16, %get3A_17] : memref<1x128xf32, #tpu.memory_space<vmem>>, vector<1x128xf32>
    %mul3A_19 = vector.broadcast %get3A_18 : vector<1x128xf32> to vector<4096x128xf32>
    %mul3A_20 = arith.mulf %mul3A_15, %mul3A_19 : vector<4096x128xf32>
    %get3A_21 = arith.constant 0 : index
    %get3A_22 = arith.constant 0 : index
    %get3A_23 = vector.load %arg4[%get3A_21, %get3A_22] : memref<1x128xf32, #tpu.memory_space<vmem>>, vector<1x128xf32>
    %add3A_24 = vector.broadcast %get3A_23 : vector<1x128xf32> to vector<4096x128xf32>
    %add3A_25 = arith.addf %mul3A_20, %add3A_24 : vector<4096x128xf32>
    %get3A_26 = arith.constant 0 : index
    %get3A_27 = arith.constant 0 : index
    %get3A_28 = vector.load %arg5[%get3A_26, %get3A_27] : memref<128x128xf32, #tpu.memory_space<vmem>>, vector<128x128xf32>
    %dot_general3A = arith.constant dense<0.000000e+00> : vector<4096x128xf32>
    %dot_general3A_29 = tpu.matmul %add3A_25, %get3A_28, %dot_general3A {dimension_numbers = #tpu.dot_dimension_numbers<[1], [0], [0], [1], [0, 0, 1, 1], [], []>, transpose_lhs_hint = false} : vector<4096x128xf32>, vector<128x128xf32>, vector<4096x128xf32> -> vector<4096x128xf32>
    %get3A_30 = arith.constant 0 : index
    %get3A_31 = arith.constant 0 : index
    %get3A_32 = vector.load %arg6[%get3A_30, %get3A_31] : memref<1x128xf32, #tpu.memory_space<vmem>>, vector<1x128xf32>
    %add3A_33 = vector.broadcast %get3A_32 : vector<1x128xf32> to vector<4096x128xf32>
    %add3A_34 = arith.addf %dot_general3A_29, %add3A_33 : vector<4096x128xf32>
    %get3A_35 = arith.constant 0 : index
    %get3A_36 = arith.constant 0 : index
    %get3A_37 = vector.load %arg2[%get3A_35, %get3A_36] : memref<4096x1xf32, #tpu.memory_space<vmem>>, vector<4096x1xf32>
    %mul3A_38 = vector.broadcast %get3A_37 : vector<4096x1xf32> to vector<4096x128xf32>
    %mul3A_39 = arith.mulf %add3A_34, %mul3A_38 : vector<4096x128xf32>
    %swap3A = arith.constant 0 : index
    %swap3A_40 = arith.constant 0 : index
    %swap3A_41 = vector.load %arg7[%swap3A, %swap3A_40] : memref<4096x128xf32, #tpu.memory_space<vmem>>, vector<4096x128xf32>
    tpu.vector_store %arg7[%swap3A, %swap3A_40], %mul3A_39 {strides = array<i32>} : memref<4096x128xf32, #tpu.memory_space<vmem>>, vector<4096x128xf32>,
    return
  }
  func.func @transform_0(%arg0: i32) -> (i32, i32) {
    %c0_i32 = arith.constant 0 : i32
    %c0_i32_0 = arith.constant 0 : i32
    return %arg0, %c0_i32 : i32, i32
  }
  func.func @transform_1(%arg0: i32) -> (i32, i32) {
    %c0_i32 = arith.constant 0 : i32
    %c0_i32_0 = arith.constant 0 : i32
    return %arg0, %c0_i32 : i32, i32
  }
  func.func @transform_2(%arg0: i32) -> (i32, i32) {
    %c0_i32 = arith.constant 0 : i32
    %c0_i32_0 = arith.constant 0 : i32
    %c0_i32_1 = arith.constant 0 : i32
    return %c0_i32, %c0_i32_0 : i32, i32
  }
  func.func @transform_3(%arg0: i32) -> (i32, i32) {
    %c0_i32 = arith.constant 0 : i32
    %c0_i32_0 = arith.constant 0 : i32
    %c0_i32_1 = arith.constant 0 : i32
    return %c0_i32, %c0_i32_0 : i32, i32
  }
  func.func @transform_4(%arg0: i32) -> (i32, i32) {
    %c0_i32 = arith.constant 0 : i32
    %c0_i32_0 = arith.constant 0 : i32
    %c0_i32_1 = arith.constant 0 : i32
    return %c0_i32, %c0_i32_0 : i32, i32
  }
  func.func @transform_5(%arg0: i32) -> (i32, i32) {
    %c0_i32 = arith.constant 0 : i32
    %c0_i32_0 = arith.constant 0 : i32
    %c0_i32_1 = arith.constant 0 : i32
    return %c0_i32, %c0_i32_0 : i32, i32
  }
  func.func @transform_6(%arg0: i32) -> (i32, i32) {
    %c0_i32 = arith.constant 0 : i32
    %c0_i32_0 = arith.constant 0 : i32
    return %arg0, %c0_i32 : i32, i32
  }
}

</mosaic_0001>

<sc_bundles>
// kernel: kernel.5.cloned.1.call-start
scs
__scs_entry_jumppad:
0x0: {  	(pc) =	sbr.rel $0x88, $3  }
0x1: {  	(tag) =	ssettag $0x0;
	lr =	simm.s32 $0x1  }
0x2: {  	[smem:$0x3F97] =	sst lr;
	_ =	strace $0xD0000000  }
0x3: {  	_ = 	snop  }
0x4: {  	_ = 	snop  }
0x5: {  	_ = 	snop  }
0x6: {  	_ = 	snop  }
0x7: {  	_ = 	snop  }
__scs_overlays_trampoline_lowered:
0x8: {  	[smem:$0x3FA6] =	sst s0  }
0x9: {  	[smem:$0x3FA7] =	sst s1  }
0xa: {  	[smem:$0x3FA8] =	sst s2  }
0xb: {  	[smem:$0x3FA9] =	sst s3  }
0xc: {  	[smem:$0x3FAA] =	sst s4  }
0xd: {  	[smem:$0x3FAB] =	sst s5  }
0xe: {  	[smem:$0x3FAC] =	sst s6  }
0xf: {  	[smem:$0x3FAD] =	sst s7  }
0x10: {  	[smem:$0x3FAE] =	sst s8  }
0x11: {  	[smem:$0x3FAF] =	sst s9;
	s0 =	simm.s32 @!p0 $0x0  }
0x12: {  	s1 =	sld [smem:$0x3F95];
	s0 =	simm.s32 @p0 $0x1  }
0x13: {  	[smem:$0x3FB0] =	sst s0;
	s0 =	simm.s32 @!p1 $0x0  }
0x14: {  	s2 =	sld [smem:$0x3F94];
	s0 =	simm.s32 @p1 $0x1  }
0x15: {  	[smem:$0x3FB1] =	sst s0;
	s0 =	simm.s32 @!p2 $0x0  }
0x16: {  	s3 =	sld [smem:$0x3FDB];
	s0 =	simm.s32 @p2 $0x1  }
0x17: {  	s4 =	simm.s32 $0x1BF5;
	[smem:$0x3FB3] =	sst s0  }
0x18: {  	s0 =	sld [smem:$0x3F96];
	_ =	swait.ge [sflag:s4], $0x0  }
0x19: {  	s7 =	sld [smem:$0x3F97]  }
0x1a: {  	s8 =	sadd.s32 $0xFFFFE003, lr  }
0x1b: {  	s9 =	sadd.s32 $0xFFFFFEF7, lr;
	s5 =	simm.s32 $0xFFFFFFFF;
	p2 =	slt.u32 s8, $0xFFFFF086  }
0x1c: {  	p1 =	slt.u32 s9, $0xF7A;
	s5 =	simm.s32 @!p2 $0x0  }
0x1d: {  	s5 =	simm.s32 @p1 $0x1;
	p0 =	seq.s32 s7, s2  }
0x1e: {  	s7 =	smul.u32 @!p0 $0xF7A, s2;
	p2 =	seq.s32 @!p0 s5, $0x0  }
0x1f: {  	s9 =	smul.u32 $0xF7A, s1;
	s8 =	simm.s32 @!p0 $0x1BF5;
	p2 =	por !p2, p0  }
0x20: {  	[sflag:s8] =	ssyncset.s32 @!p0 $0xFFFFF086;
	s6 =	sadd.s32 @!p0 s3, s7;
	s7 =	simm.s32 @!p0 $0x108  }
0x21: {  	s3 =	sadd.s32 s3, s9;
	s6 =	sadd.s32 @!p0 $0x88, s6;
	s7 =	simm.s32 @p2 $0x1082  }
0x22: {  	[simem:s7], [sflag:s8] =	dma.local @!p0 [hbm:s6], $0xF7A  }
0x23: {  	s9 =	sor.u32 $0xD0000000, s2;
	s6 =	simm.s32 $0x108;
	_ =	swait.ge @!p0 [sflag:s8], $0x0  }
0x24: {  	s3 =	sadd.s32 $0x88, s3;
	s6 =	simm.s32 @!p1 $0x1082;
	[sflag:s4] =	ssyncset.s32 $0xFFFFF086  }
0x25: {  	[simem:s6], [sflag:s4] =	dma.local [hbm:s3], $0xF7A  }
0x26: {  	[smem:$0x3F97] =	sst s1;
	(tag) =	ssettag s2;
	_ =	strace s9  }
0x27: {  	s1 =	sld [smem:$0x3FA7]  }
0x28: {  	s2 =	sld [smem:$0x3FA8]  }
0x29: {  	s4 =	sld [smem:$0x3FAA]  }
0x2a: {  	p0 =	seq.s32 s5, $0x0;
	s5 =	sld [smem:$0x3FAB]  }
0x2b: {  	s6 =	sld [smem:$0x3FAC]  }
0x2c: {  	s7 =	sld [smem:$0x3FAD]  }
0x2d: {  	s3 =	simm.s32 $0x108;
	s8 =	sld [smem:$0x3FAE]  }
0x2e: {  	s3 =	simm.s32 @!p0 $0x1082;
	s9 =	sld [smem:$0x3FAF]  }
0x2f: {  	lr =	sadd.s32 s0, s3;
	s0 =	sld [smem:$0x3FA6]  }
0x30: {  	s3 =	sld [smem:$0x3FA9]  }
0x31: {  	[smem:$0x3FB2] =	sst s10  }
0x32: {  	s10 =	sld [smem:$0x3FB0];
	_ =	sdelay $0x3  }
0x33: {  	p0 =	seq.s32 s10, $0x1;
	s10 =	sld [smem:$0x3FB2];
	_ =	sdelay $0x3  }
0x34: {  	[smem:$0x3FB2] =	sst s10  }
0x35: {  	s10 =	sld [smem:$0x3FB1];
	_ =	sdelay $0x3  }
0x36: {  	p1 =	seq.s32 s10, $0x1;
	s10 =	sld [smem:$0x3FB2];
	_ =	sdelay $0x3  }
0x37: {  	[smem:$0x3FB2] =	sst s10  }
0x38: {  	s10 =	sld [smem:$0x3FB3]  }
0x39: {  	_ = 	snop;
	(pc) =	sbr.ind lr, $3  }
0x3a: {  	_ = 	snop  }
0x3b: {  	_ = 	snop  }
0x3c: {  	p2 =	seq.s32 s10, $0x1;
	s10 =	sld [smem:$0x3FB2]  }
0x3d: {  	_ =	shalt  }
0x3e: {  	_ =	shalt  }
0x3f: {  	_ =	shalt  }
0x40: {  	_ =	shalt  }
0x41: {  	_ =	shalt  }
0x42: {  	_ =	shalt  }
0x43: {  	_ =	shalt  }
0x44: {  	_ =	shalt  }
0x45: {  	_ =	shalt  }
0x46: {  	_ =	shalt  }
0x47: {  	_ =	shalt  }
0x48: {  	_ =	shalt  }
0x49: {  	_ =	shalt  }
0x4a: {  	_ =	shalt  }
0x4b: {  	_ =	shalt  }
0x4c: {  	_ =	shalt  }
0x4d: {  	_ =	shalt  }
0x4e: {  	_ =	shalt  }
0x4f: {  	_ =	shalt  }
0x50: {  	_ =	shalt  }
0x51: {  	_ =	shalt  }
0x52: {  	_ =	shalt  }
0x53: {  	_ =	shalt  }
0x54: {  	_ =	shalt  }
0x55: {  	_ =	shalt  }
0x56: {  	_ =	shalt  }
0x57: {  	_ =	shalt  }
0x58: {  	_ =	shalt  }
0x59: {  	_ =	shalt  }
0x5a: {  	_ =	shalt  }
0x5b: {  	_ =	shalt  }
0x5c: {  	_ =	shalt  }
0x5d: {  	_ =	shalt  }
0x5e: {  	_ =	shalt  }
0x5f: {  	_ =	shalt  }
0x60: {  	_ =	shalt  }
0x61: {  	_ =	shalt  }
0x62: {  	_ =	shalt  }
0x63: {  	_ =	shalt  }
0x64: {  	_ =	shalt  }
0x65: {  	_ =	shalt  }
0x66: {  	_ =	shalt  }
0x67: {  	_ =	shalt  }
0x68: {  	_ =	shalt  }
0x69: {  	_ =	shalt  }
0x6a: {  	_ =	shalt  }
0x6b: {  	_ =	shalt  }
0x6c: {  	_ =	shalt  }
0x6d: {  	_ =	shalt  }
0x6e: {  	_ =	shalt  }
0x6f: {  	_ =	shalt  }
0x70: {  	_ =	shalt  }
0x71: {  	_ =	shalt  }
0x72: {  	_ =	shalt  }
0x73: {  	_ =	shalt  }
0x74: {  	_ =	shalt  }
0x75: {  	_ =	shalt  }
0x76: {  	_ =	shalt  }
0x77: {  	_ =	shalt  }
0x78: {  	_ =	shalt  }
0x79: {  	_ =	shalt  }
0x7a: {  	_ =	shalt  }
0x7b: {  	_ =	shalt  }
0x7c: {  	_ =	shalt  }
0x7d: {  	_ =	shalt  }
0x7e: {  	_ =	shalt  }
0x7f: {  	_ =	shalt  }
0x80: {  	_ =	shalt  }
0x81: {  	_ =	shalt  }
0x82: {  	_ =	shalt  }
0x83: {  	_ =	shalt  }
0x84: {  	_ =	shalt  }
0x85: {  	_ =	shalt  }
0x86: {  	_ =	shalt  }
0x87: {  	_ =	shalt  }
.Lfunc_end0:
.L_simem_size_0:
called_computation_lowered:
.L_overlay_start_0:
0x88: {  	s2 =	sld [smem:$0x3FD9]  }
0x89: {  	s3 =	sld [smem:$0x3FFE];
	_ =	sdelay $0x1  }
0x8a: {  	s1 =	srdreg.scid  }
0x8b: {  	s0 =	sand.u32 $0x1, s1  }
0x8c: {  	s17 =	sshll.u32 s0, $0xA;
	s2 =	sadd.s32 s3, s2  }
0x8d: {  	s2 =	sadd.s32 s2, s17  }
0x8e: {  	[smem:$0x3FBE] =	sst s2  }
0x8f: {  	_ = 	snop  }
0x90: {  	s2 =	sld [smem:$0x3FC8]  }
0x91: {  	s18 =	sld [smem:$0x3FC6];
	(tm) =	ssettm $0x1  }
0x92: {  	s4 =	sld [smem:$0x3FFB];
	_ =	sdelay $0x3  }
0x93: {  	_ =	strace s4  }
0x94: {  	s4 =	sld [smem:$0x3FFC];
	_ =	sdelay $0x3  }
0x95: {  	_ =	strace s4  }
0x96: {  	s4 =	sld [smem:$0x3FFD];
	_ =	sdelay $0x3  }
0x97: {  	_ =	strace s4  }
0x98: {  	_ =	strace $0x8FFFFFFF  }
0x99: {  	s19 =	sld [smem:$0x3FDB];
	_ =	sdelay $0x1  }
0x9a: {  	s5 =	simm.s32 $_scs_section_size  }
0x9b: {  	s6 =	simm.s32 $_size__tile_overlayer_lowered;
	s7 =	simm.s32 $_tile_overlayer_lowered  }
0x9c: {  	s22 =	simm.s32 $0x1BFF;
	s21 =	sshll.u32 s7, $0x1;
	s4 =	sadd.s32 s5, s19  }
0x9d: {  	s8 =	simm.s32 $0x0;
	s20 =	sshll.u32 s6, $0x1;
	s6 =	sadd.s32 s21, s4  }
0x9e: {  	[timem:s8], [sflag:s22] =	dma.local [hbm:s6], s20  }
0x9f: {  	_ =	swait.ge [sflag:s22], s20  }
0xa0: {  	s5 =	ssub.s32 $0x0, s20;
	[sflag:s22] =	ssyncset.done $0x0  }
0xa1: {  	[sflag:s22] =	ssyncadd.s32 s5;
	_ =	sdelay $0x1  }
0xa2: {  	s23 =	simm.s32 $0x1B8B  }
0xa3: {  	_ =	swait.ge [sflag:s23], $0x1  }
0xa4: {  	[sflag:s23] =	ssyncset.done $0x0  }
0xa5: {  	s25 =	simm.s32 $0x1B8E;
	s24 =	sld [smem:$0x3FFE];
	[sflag:s23] =	ssyncadd.s32 $0xFFFFFFFF  }
0xa6: {  	s26 =	simm.s32 $execute0_lowered;
	[smem:$0x3FD2] =	sst s25  }
0xa7: {  	s6 =	sshll.u32 s26, $0x1;
	_ =	strace $0x80000046;
	[dreg:$0x1] =	wrdreg $0xFFFFFFFF  }
0xa8: {  	s28 =	simm.s32 $_size_execute0_lowered;
	s4 =	sadd.s32 s4, s6;
	[dreg:$0x0] =	wrdreg $0x0  }
0xa9: {  	s6 =	sshll.u32 s28, $0x1;
	[dreg:$0x2] =	wrdreg s4  }
0xaa: {  	[dreg:$0x3] =	wrdreg s6  }
0xab: {  	[dreg:$0x4] =	wrdreg $0xC0  }
0xac: {  	_ =	task [dreg:s8], $0x5FFFF  }
0xad: {  	[dreg:$0x1] =	wrdreg $0xFFFFFFFF  }
0xae: {  	[dreg:$0x0] =	wrdreg $0x60  }
0xaf: {  	[dreg:$0x2] =	wrdreg s24  }
0xb0: {  	[dreg:$0x3] =	wrdreg s2  }
0xb1: {  	[dreg:$0x4] =	wrdreg s18  }
0xb2: {  	[dreg:$0x5] =	wrdreg $0x0  }
0xb3: {  	[dreg:$0x6] =	wrdreg $0x9  }
0xb4: {  	_ =	task.clear_ibuf [dreg:s8], $0x7FFFF;
	_ =	strace $0x90000046  }
0xb5: {  	s29 =	simm.s32 $0x9;
	_ =	strace $0x80000048  }
0xb6: {  	_ =	swait.ge [sflag:s29], $0x1  }
0xb7: {  	[sflag:s29] =	ssyncadd.s32 $0xFFFFFFFF  }
0xb8: {  	_ =	strace $0x90000048  }
0xb9: {  	_ =	sfence  }
0xba: {  	s30 =	sld [smem:$0x0];
	_ =	sdelay $0x2  }
0xbb: {  	s31 =	sshll.u32 s1, $0xD;
	s1 =	sshrl.u32 s1, $0x2  }
0xbc: {  	s3 =	sand.u32 $0x4000, s31;
	s1 =	sadd.s32 s1, s30  }
0xbd: {  	s0 =	sor.u32 s3, s0;
	s1 =	sshll.u32 s1, $0x11  }
0xbe: {  	s0 =	sor.u32 s1, s0  }
0xbf: {  	s0 =	sadd.s32 $0x8F2B, s0  }
0xc0: {  	[sflag:s0] =	ssyncadd.remote.s32 $0x1  }
0xc1: {  	_ =	sfence.sel $0xFFFF  }
0xc2: {  	[dreg:$0x0] =	wrdreg $0xFFFFFFFF;
	(pc) =	sbr.abs _section_cstart, $3  }
0xc3: {  	[dreg:$0x1] =	wrdreg $0xFFFFFFFF  }
0xc4: {  	_ =	task.clear_ibuf [dreg:s8], $0x2FFFF;
	_ =	strace $0x9FFFFFFF  }
0xc5: {  	(tm) =	ssettm $0x7FFFFFFF  }
tec
execute0_lowered:
.L_overlay_start_1:
0x0: {  	(tag) =	ssettag $0x1  }
0x1: {  	s3 =	rddreg [dreg:$0x0]  }
0x2: {  	s9 =	rddreg [dreg:$0x1]  }
0x3: {  	s16 =	rddreg [dreg:$0x2]  }
0x4: {  	s1 =	rddreg [dreg:$0x3]  }
0x5: {  	s0 =	rddreg [dreg:$0x4];
	s2 =	simm.s32 $0x0  }
0x6: {  	s5 =	srdreg.scid;
	s23 =	simm.s32 $0x1A880;
	s24 =	simm.s32 $0x1  }
0x7: {  	s25 =	simm.s32 $0x0;
	[smem:$0x7FF] =	sst s2;
	s4 =	sadd.s32 $0x401000, s3  }
0x8: {  	s5 =	sand.u32 $0x1, s5;
	s17 =	sadd.s32 $0x1000, s3;
	s3 =	stileid.u32  }
0x9: {  	_ =	strace $0x80000047;
	s6 =	ssub.s32 $0x2, s5;
	s13 =	sshll.u32 s5, $0xD  }
0xa: {  	s14 =	sshll.u32 s3, $0x9;
	s28 =	sshll.u32 s3, $0x10;
	s5 =	sshll.u32 s3, $0xE  }
0xb: {  	s8 =	sshll.u32 s3, $0x6;
	s10 =	sshll.u32 s3, $0xB;
	s7 =	sshrl.u32 s6, $0x1  }
0xc: {  	s29 =	sor.u32 s14, s13;
	s8 =	sor.u32 $0x1C02, s8;
	s9 =	sadd.s32 s9, s10  }
0xd: {  	s15 =	sor.u32 $0x4000, s13;
	s20 =	sor.u32 $0x8000, s13;
	s21 =	sor.u32 $0xC000, s13  }
0xe: {  	s18 =	ssub.s32 s6, s7;
	s6 =	sadd.s32 s28, s1;
	s11 =	sshll.u32 s29, $0x4  }
0xf: {  	s10 =	sadd.s32 $0x400, s9;
	s12 =	sor.u32 s14, s15;
	s22 =	sor.u32 s14, s20  }
0x10: {  	v6 =	vlaneseq.u32;
	s14 =	sor.u32 s14, s21;
	v4 =	vmov s20;
	v5 =	vmov s21;
	s20 =	simm.s32 $0x12080;
	s21 =	simm.s32 $0x16480  }
.Ltmp0:
0x11: {  	v7 =	vimm.s32 $0x0;
	v8 =	vor.u32 $0x2000, v6;
	v9 =	vor.u32 $0x10, v6;
	s7 =	sadd.s32 s16, s11;
	s11 =	sadd.s32 s17, s11;
	(pc) =	sbr.rel .LBB2_1-.Ltmp0, $4  }
0x12: {  	v10 =	vor.u32 $0x20, v6;
	v11 =	vor.u32 $0x30, v6;
	v12 =	vor.u32 $0x40, v6;
	s19 =	sshll.u32 s12, $0x4;
	s30 =	sshll.u32 s22, $0x4;
	s31 =	sshll.u32 s14, $0x4  }
0x13: {  	v13 =	vor.u32 $0x50, v6;
	v14 =	vor.u32 $0x60, v6;
	v0 =	vmov s3;
	s18 =	smax.u32 s18, $0x1;
	s22 =	simm.s32 $0x80;
	s12 =	sadd.s32 s16, s19  }
0x14: {  	v0 =	vor.u32 $0x2000, v0;
	v2 =	vmov s13;
	v3 =	vmov s15;
	s13 =	sadd.s32 s17, s19;
	s14 =	sadd.s32 s16, s30;
	s15 =	sadd.s32 s17, s30  }
0x15: {  	v15 =	vor.u32 $0x70, v6;
	v1 =	vmov s5;
	v0 =	vbroadcast v0, $0x0;
	s16 =	sadd.s32 s16, s31;
	s17 =	sadd.s32 s17, s31;
	s19 =	simm.s32 $0x2  }
.LBB2_32:
0x16: {  	[sflag:s19] =	ssyncadd.s32 $0xFFFFC000  }
.LBB2_33:
0x17: {  	s25 =	sadd.s32 $0x1, s25  }
0x18: {  	p0 =	sne.s32 s25, s18  }
.Ltmp1:
0x19: {  	[bflag:$0x0] =	sbarrier.arrive $0xFFFF;
	(pc) =	sbr.rel @!p0 .LBB2_34-.Ltmp1, $4  }
0x1a: {  	[hbm:s17], [sflag:s8] =	dma.local [spmem:s26], $0x2000  }
0x1b: {  	_ =	swait.ge [sflag:s19], $0x2000  }
0x1c: {  	[sflag:s19] =	ssyncset.done $0x0  }
0x1d: {  	[sflag:s19] =	ssyncadd.s32 $0xFFFFE000  }
.LBB2_1:
0x1e: {  	s26 =	sshrl.u32 s6, $0x3  }
0x1f: {  	[spmem:s26], [sflag:s8] =	dma.local [hbm:s7], $0x2000  }
0x20: {  	_ =	swait.ge [sflag:s19], $0x2000  }
0x21: {  	[sflag:s19] =	ssyncset.done $0x0  }
0x22: {  	[sflag:s19] =	ssyncadd.s32 $0xFFFFE000  }
0x23: {  	s28 =	simm.s32 $0x10080;
	[bflag:$0x0] =	sbarrier.arrive $0xFFFF  }
0x24: {  	[tilespmem:s28], [sflag:$0x2] =	stream.linear.gather [hbm4b:s9+s2], $0x2000, $0x38;
	[tilespmem:$0x1E880] =	vst v63  }
0x25: {  	_ =	swait.ge [sflag:s19], $0x2000  }
0x26: {  	[sflag:s19] =	ssyncset.done $0x0  }
0x27: {  	[sflag:s19] =	ssyncadd.s32 $0xFFFFE000  }
0x28: {  	v18 =	vld [tilespmem:s28+$0x0]  }
0x29: {  	s30 =	simm.s32 $0x10;
	v16 =	vimm.s32 $0x0;
	v17 =	vimm.s32 $0x0;
	s29 =	simm.s32 $0x0  }
.LBB2_2:
0x2a: {  	p0 =	sne.s32 s30, $0x1FF0;
	_ =	sdelay $0x2  }
0x2b: {  	v18 =	vsub.s32 v18, v2  }
0x2c: {  	vm0 =	vlt.u32 v18, $0x2000  }
0x2d: {  	v19 =	vsel vm0, $0x1, v7;
	v20 =	vmpcnt.ones.xlane vm0  }
0x2e: {  	(xrf0) =	vadd.scan.msk.s32 $0xffff, v19  }
0x2f: {  	v16 =	vadd.s32 v16, v20;
	_ =	sdelay $0x4  }
0x30: {  	v19, _, _ =	vpop (xrf0)  }
0x31: {  	v19 =	vadd.s32 v19, v17;
	v17 =	vmov v16  }
0x32: {  	v19 =	vadd.s32 $0xFFFFFFFF, v19;
	_ =	sdelay $0x2  }
0x33: {  	s31 =	sadd.s32 s5, s29;
	s29 =	smov.u32 s30  }
.Ltmp2:
0x34: {  	v20 =	vor.u32 s31, v6;
	(pc) =	sbr.rel @p0 .LBB2_2-.Ltmp2, $4  }
0x35: {  	[tilespmem:v19+s20+$0x0] =	vst.idx.msk vm0, v20  }
0x36: {  	s28 =	sadd.s32 $0x10, s28;
	[tilespmem:v19+s21+$0x0] =	vst.idx.msk vm0, v18  }
0x37: {  	v18 =	vld [tilespmem:s28+$0x0]  }
0x38: {  	s30 =	sadd.s32 $0x10, s30  }
0x39: {  	_ =	sdelay $0x2  }
0x3a: {  	v18 =	vsub.s32 v18, v2  }
0x3b: {  	vm0 =	vlt.u32 v18, $0x2000  }
0x3c: {  	v19 =	vsel vm0, $0x1, v7  }
0x3d: {  	(xrf0) =	vadd.scan.msk.s32 $0xffff, v19;
	_ =	sdelay $0x5  }
0x3e: {  	v19, _, _ =	vpop (xrf0)  }
0x3f: {  	v17 =	vadd.s32 v19, v17  }
0x40: {  	v17 =	vadd.s32 $0xFFFFFFFF, v17;
	_ =	sdelay $0x2  }
0x41: {  	s28 =	sadd.s32 s5, s29  }
0x42: {  	v19 =	vor.u32 s28, v6  }
0x43: {  	[tilespmem:v17+s20+$0x0] =	vst.idx.msk vm0, v19  }
0x44: {  	s29 =	simm.s32 $0x10080;
	s28 =	simm.s32 $0x0;
	[tilespmem:v17+s21+$0x0] =	vst.idx.msk vm0, v18  }
0x45: {  	[tilespmem:s29], [sflag:$0x2] =	stream.linear.gather [hbm4b:s10+s28], $0x2000, $0x38;
	[tilespmem:$0x1E880] =	vst v63  }
0x46: {  	_ =	swait.ge [sflag:s19], $0x2000  }
0x47: {  	v17 =	vmpcnt.ones.xlane vm0;
	[sflag:s19] =	ssyncset.done $0x0  }
0x48: {  	[sflag:s19] =	ssyncadd.s32 $0xFFFFE000  }
0x49: {  	v17 =	vadd.s32 v16, v17;
	v18 =	vld [tilespmem:s29+$0x0]  }
0x4a: {  	s30 =	simm.s32 $0x10;
	v16 =	vmov v17  }
.LBB2_4:
0x4b: {  	p0 =	sne.s32 s30, $0x1FF0;
	_ =	sdelay $0x2  }
0x4c: {  	v18 =	vsub.s32 v18, v2  }
0x4d: {  	vm0 =	vlt.u32 v18, $0x2000  }
0x4e: {  	v19 =	vsel vm0, $0x1, v7;
	v20 =	vmpcnt.ones.xlane vm0  }
0x4f: {  	(xrf0) =	vadd.scan.msk.s32 $0xffff, v19  }
0x50: {  	v17 =	vadd.s32 v17, v20;
	_ =	sdelay $0x4  }
0x51: {  	v19, _, _ =	vpop (xrf0)  }
0x52: {  	v19 =	vadd.s32 v19, v16;
	v16 =	vmov v17  }
0x53: {  	v19 =	vadd.s32 $0xFFFFFFFF, v19;
	_ =	sdelay $0x2  }
0x54: {  	s31 =	sor.u32 s5, s28;
	s28 =	smov.u32 s30  }
.Ltmp3:
0x55: {  	v20 =	vor.u32 s31, v8;
	(pc) =	sbr.rel @p0 .LBB2_4-.Ltmp3, $4  }
0x56: {  	[tilespmem:v19+s20+$0x0] =	vst.idx.msk vm0, v20  }
0x57: {  	s29 =	sadd.s32 $0x10, s29;
	[tilespmem:v19+s21+$0x0] =	vst.idx.msk vm0, v18  }
0x58: {  	v18 =	vld [tilespmem:s29+$0x0]  }
0x59: {  	s30 =	sadd.s32 $0x10, s30  }
0x5a: {  	_ =	sdelay $0x2  }
0x5b: {  	v18 =	vsub.s32 v18, v2  }
0x5c: {  	vm0 =	vlt.u32 v18, $0x2000  }
0x5d: {  	v19 =	vmpcnt.ones.xlane vm0;
	_ =	sdelay $0x1  }
0x5e: {  	v20 =	vsel vm0, $0x1, v7;
	v17 =	vadd.s32 v17, v19  }
0x5f: {  	(xrf0) =	vadd.scan.msk.s32 $0xffff, v20;
	v17 =	vxor.u32 $0x80000000, v17  }
0x60: {  	(xrf0) =	vmax.scan.msk.u32 $0xffff, v17;
	_ =	sdelay $0x4  }
0x61: {  	v17, _, _ =	vpop (xrf0)  }
0x62: {  	v59, _, _ =	vpop (xrf0)  }
0x63: {  	(v2sf) =	vpush v59, $0xF;
	_ =	sdelay $0xd  }
0x64: {  	v16 =	vadd.s32 v17, v16  }
0x65: {  	v16 =	vadd.s32 $0xFFFFFFFF, v16;
	s30 =	spop (v2sf)  }
0x66: {  	s31 =	sxor.u32 $0x80000000, s30  }
0x67: {  	v17 =	vadd.s32 s31, v6  }
0x68: {  	s28 =	sor.u32 s5, s28  }
0x69: {  	v60 =	vor.u32 s28, v8;
	v61 =	vadd.s32 s31, v9  }
0x6a: {  	[tilespmem:v16+s20+$0x0] =	vst.idx.msk vm0, v60  }
0x6b: {  	s28 =	simm.s32 $0x16480;
	[tilespmem:v16+s21+$0x0] =	vst.idx.msk vm0, v18;
	v16 =	vadd.s32 s31, v10  }
0x6c: {  	s29 =	simm.s32 $0x12080;
	[tilespmem:v17+s28+$0x0] =	vst.idx.msk $0xffff, v0  }
0x6d: {  	[tilespmem:v17+s29+$0x0] =	vst.idx.msk $0xffff, v1;
	v17 =	vadd.s32 s31, v11  }
0x6e: {  	[tilespmem:v61+s28+$0x0] =	vst.idx.msk $0xffff, v0  }
0x6f: {  	v62 =	vadd.s32 s31, v12;
	[tilespmem:v61+s29+$0x0] =	vst.idx.msk $0xffff, v1  }
0x70: {  	[tilespmem:v16+s28+$0x0] =	vst.idx.msk $0xffff, v0  }
0x71: {  	[tilespmem:v16+s29+$0x0] =	vst.idx.msk $0xffff, v1;
	v16 =	vadd.s32 s31, v13  }
0x72: {  	[tilespmem:v17+s28+$0x0] =	vst.idx.msk $0xffff, v0  }
0x73: {  	[tilespmem:v17+s29+$0x0] =	vst.idx.msk $0xffff, v1;
	v17 =	vadd.s32 s31, v14  }
0x74: {  	s30 =	sadd.s32 $0x8000007F, s30;
	[tilespmem:v62+s28+$0x0] =	vst.idx.msk $0xffff, v0  }
0x75: {  	v63 =	vadd.s32 s31, v15;
	s30 =	sshra.s32 s30, $0x7;
	[tilespmem:v62+s29+$0x0] =	vst.idx.msk $0xffff, v1  }
0x76: {  	p0 =	slt.s32 s30, $0x1;
	[tilespmem:v16+s28+$0x0] =	vst.idx.msk $0xffff, v0  }
.Ltmp4:
0x77: {  	[tilespmem:v16+s29+$0x0] =	vst.idx.msk $0xffff, v1;
	(pc) =	sbr.rel @p0 .LBB2_9-.Ltmp4, $4  }
0x78: {  	[tilespmem:v17+s28+$0x0] =	vst.idx.msk $0xffff, v0  }
0x79: {  	[tilespmem:v17+s29+$0x0] =	vst.idx.msk $0xffff, v1  }
0x7a: {  	[tilespmem:v63+s28+$0x0] =	vst.idx.msk $0xffff, v0  }
0x7b: {  	[tilespmem:v63+s29+$0x0] =	vst.idx.msk $0xffff, v1  }
0x7c: {  	[tilespmem:s23], [sflag:$0x1] =	stream.indirect.gather [hbm4b:s4+s22], $0x80, s29, s22, $0xb8;
	[tilespmem:$0x1E880] =	vst v63  }
0x7d: {  	p0 =	sne.s32 s30, $0x1;
	_ =	swait.ge [sflag:s24], $0x4000  }
.Ltmp5:
0x7e: {  	[sflag:s24] =	ssyncset.done $0x0;
	(pc) =	sbr.rel @!p0 .LBB2_8-.Ltmp5, $4  }
0x7f: {  	[sflag:s24] =	ssyncadd.s32 $0xFFFFC000  }
0x80: {  	[spmem:s1] =	stream.indirect.scatter.add.f32 [tilespmem:s23], [sflag:$0x2], $0x80, s28, s22, $0xb8;
	[tilespmem:$0x1E880] =	vst v63  }
0x81: {  	_ =	swait.ge [sflag:s19], $0x4000  }
0x82: {  	s30 =	sadd.s32 $0xFFFFFFFF, s30;
	[sflag:s19] =	ssyncset.done $0x0  }
.LBB2_7:
0x83: {  	[sflag:s19] =	ssyncadd.s32 $0xFFFFC000;
	s29 =	sadd.s32 $0x80, s29;
	s28 =	sadd.s32 $0x80, s28  }
0x84: {  	[tilespmem:s23], [sflag:$0x1] =	stream.indirect.gather [hbm4b:s4+s22], $0x80, s29, s22, $0xb8;
	[tilespmem:$0x1E880] =	vst v63  }
0x85: {  	p0 =	sne.s32 s30, $0x1;
	s30 =	sadd.s32 $0xFFFFFFFF, s30;
	_ =	swait.ge [sflag:s24], $0x4000  }
.Ltmp6:
0x86: {  	[sflag:s24] =	ssyncset.done $0x0;
	(pc) =	sbr.rel @p0 .LBB2_7-.Ltmp6, $4  }
0x87: {  	[sflag:s24] =	ssyncadd.s32 $0xFFFFC000  }
0x88: {  	[spmem:s1] =	stream.indirect.scatter.add.f32 [tilespmem:s23], [sflag:$0x2], $0x80, s28, s22, $0xb8;
	[tilespmem:$0x1E880] =	vst v63  }
0x89: {  	_ =	swait.ge [sflag:s19], $0x4000  }
0x8a: {  	[sflag:s19] =	ssyncset.done $0x0  }
.LBB2_8:
0x8b: {  	[sflag:s19] =	ssyncadd.s32 $0xFFFFC000  }
.LBB2_9:
0x8c: {  	[bflag:$0x0] =	sbarrier.arrive $0xFFFF  }
0x8d: {  	[hbm:s11], [sflag:s8] =	dma.local [spmem:s26], $0x2000  }
0x8e: {  	_ =	swait.ge [sflag:s19], $0x2000  }
0x8f: {  	[sflag:s19] =	ssyncset.done $0x0  }
0x90: {  	[sflag:s19] =	ssyncadd.s32 $0xFFFFE000  }
0x91: {  	[spmem:s26], [sflag:s8] =	dma.local [hbm:s12], $0x2000  }
0x92: {  	_ =	swait.ge [sflag:s19], $0x2000  }
0x93: {  	[sflag:s19] =	ssyncset.done $0x0  }
0x94: {  	[sflag:s19] =	ssyncadd.s32 $0xFFFFE000  }
0x95: {  	s28 =	simm.s32 $0x0;
	s29 =	simm.s32 $0x10080;
	[bflag:$0x0] =	sbarrier.arrive $0xFFFF  }
0x96: {  	[tilespmem:s29], [sflag:$0x2] =	stream.linear.gather [hbm4b:s9+s28], $0x2000, $0x38;
	[tilespmem:$0x1E880] =	vst v63  }
0x97: {  	_ =	swait.ge [sflag:s19], $0x2000  }
0x98: {  	[sflag:s19] =	ssyncset.done $0x0  }
0x99: {  	[sflag:s19] =	ssyncadd.s32 $0xFFFFE000  }
0x9a: {  	v18 =	vld [tilespmem:s29+$0x0]  }
0x9b: {  	v16 =	vimm.s32 $0x0;
	s30 =	simm.s32 $0x10;
	v17 =	vimm.s32 $0x0  }
.LBB2_10:
0x9c: {  	p0 =	sne.s32 s30, $0x1FF0;
	_ =	sdelay $0x2  }
0x9d: {  	v18 =	vsub.s32 v18, v3  }
0x9e: {  	vm0 =	vlt.u32 v18, $0x2000  }
0x9f: {  	v19 =	vsel vm0, $0x1, v7;
	v20 =	vmpcnt.ones.xlane vm0  }
0xa0: {  	(xrf0) =	vadd.scan.msk.s32 $0xffff, v19  }
0xa1: {  	v16 =	vadd.s32 v16, v20;
	_ =	sdelay $0x4  }
0xa2: {  	v19, _, _ =	vpop (xrf0)  }
0xa3: {  	v19 =	vadd.s32 v19, v17;
	v17 =	vmov v16  }
0xa4: {  	v19 =	vadd.s32 $0xFFFFFFFF, v19;
	_ =	sdelay $0x2  }
0xa5: {  	s31 =	sadd.s32 s5, s28;
	s28 =	smov.u32 s30  }
.Ltmp7:
0xa6: {  	v20 =	vor.u32 s31, v6;
	(pc) =	sbr.rel @p0 .LBB2_10-.Ltmp7, $4  }
0xa7: {  	[tilespmem:v19+s20+$0x0] =	vst.idx.msk vm0, v20  }
0xa8: {  	s29 =	sadd.s32 $0x10, s29;
	[tilespmem:v19+s21+$0x0] =	vst.idx.msk vm0, v18  }
0xa9: {  	v18 =	vld [tilespmem:s29+$0x0]  }
0xaa: {  	s30 =	sadd.s32 $0x10, s30  }
0xab: {  	_ =	sdelay $0x2  }
0xac: {  	v18 =	vsub.s32 v18, v3  }
0xad: {  	vm0 =	vlt.u32 v18, $0x2000  }
0xae: {  	v19 =	vsel vm0, $0x1, v7  }
0xaf: {  	(xrf0) =	vadd.scan.msk.s32 $0xffff, v19;
	_ =	sdelay $0x5  }
0xb0: {  	v19, _, _ =	vpop (xrf0)  }
0xb1: {  	v17 =	vadd.s32 v19, v17  }
0xb2: {  	v17 =	vadd.s32 $0xFFFFFFFF, v17;
	_ =	sdelay $0x2  }
0xb3: {  	s28 =	sadd.s32 s5, s28  }
0xb4: {  	v19 =	vor.u32 s28, v6  }
0xb5: {  	[tilespmem:v17+s20+$0x0] =	vst.idx.msk vm0, v19  }
0xb6: {  	s29 =	simm.s32 $0x10080;
	s28 =	simm.s32 $0x0;
	[tilespmem:v17+s21+$0x0] =	vst.idx.msk vm0, v18  }
0xb7: {  	[tilespmem:s29], [sflag:$0x2] =	stream.linear.gather [hbm4b:s10+s28], $0x2000, $0x38;
	[tilespmem:$0x1E880] =	vst v63  }
0xb8: {  	_ =	swait.ge [sflag:s19], $0x2000  }
0xb9: {  	v17 =	vmpcnt.ones.xlane vm0;
	[sflag:s19] =	ssyncset.done $0x0  }
0xba: {  	[sflag:s19] =	ssyncadd.s32 $0xFFFFE000  }
0xbb: {  	v17 =	vadd.s32 v16, v17;
	v18 =	vld [tilespmem:s29+$0x0]  }
0xbc: {  	s30 =	simm.s32 $0x10;
	v16 =	vmov v17  }
.LBB2_12:
0xbd: {  	p0 =	sne.s32 s30, $0x1FF0;
	_ =	sdelay $0x2  }
0xbe: {  	v18 =	vsub.s32 v18, v3  }
0xbf: {  	vm0 =	vlt.u32 v18, $0x2000  }
0xc0: {  	v19 =	vsel vm0, $0x1, v7;
	v20 =	vmpcnt.ones.xlane vm0  }
0xc1: {  	(xrf0) =	vadd.scan.msk.s32 $0xffff, v19  }
0xc2: {  	v17 =	vadd.s32 v17, v20;
	_ =	sdelay $0x4  }
0xc3: {  	v19, _, _ =	vpop (xrf0)  }
0xc4: {  	v19 =	vadd.s32 v19, v16;
	v16 =	vmov v17  }
0xc5: {  	v19 =	vadd.s32 $0xFFFFFFFF, v19;
	_ =	sdelay $0x2  }
0xc6: {  	s31 =	sor.u32 s5, s28;
	s28 =	smov.u32 s30  }
.Ltmp8:
0xc7: {  	v20 =	vor.u32 s31, v8;
	(pc) =	sbr.rel @p0 .LBB2_12-.Ltmp8, $4  }
0xc8: {  	[tilespmem:v19+s20+$0x0] =	vst.idx.msk vm0, v20  }
0xc9: {  	s29 =	sadd.s32 $0x10, s29;
	[tilespmem:v19+s21+$0x0] =	vst.idx.msk vm0, v18  }
0xca: {  	v18 =	vld [tilespmem:s29+$0x0]  }
0xcb: {  	s30 =	sadd.s32 $0x10, s30  }
0xcc: {  	_ =	sdelay $0x2  }
0xcd: {  	v18 =	vsub.s32 v18, v3  }
0xce: {  	vm0 =	vlt.u32 v18, $0x2000  }
0xcf: {  	v19 =	vmpcnt.ones.xlane vm0;
	_ =	sdelay $0x1  }
0xd0: {  	v20 =	vsel vm0, $0x1, v7;
	v17 =	vadd.s32 v17, v19  }
0xd1: {  	(xrf0) =	vadd.scan.msk.s32 $0xffff, v20;
	v17 =	vxor.u32 $0x80000000, v17  }
0xd2: {  	(xrf0) =	vmax.scan.msk.u32 $0xffff, v17;
	_ =	sdelay $0x4  }
0xd3: {  	v17, _, _ =	vpop (xrf0)  }
0xd4: {  	v59, _, _ =	vpop (xrf0)  }
0xd5: {  	(v2sf) =	vpush v59, $0xF;
	_ =	sdelay $0xd  }
0xd6: {  	v16 =	vadd.s32 v17, v16  }
0xd7: {  	v16 =	vadd.s32 $0xFFFFFFFF, v16;
	s30 =	spop (v2sf)  }
0xd8: {  	s31 =	sxor.u32 $0x80000000, s30  }
0xd9: {  	v17 =	vadd.s32 s31, v6  }
0xda: {  	s28 =	sor.u32 s5, s28  }
0xdb: {  	v60 =	vor.u32 s28, v8;
	v61 =	vadd.s32 s31, v9  }
0xdc: {  	[tilespmem:v16+s20+$0x0] =	vst.idx.msk vm0, v60  }
0xdd: {  	s28 =	simm.s32 $0x16480;
	[tilespmem:v16+s21+$0x0] =	vst.idx.msk vm0, v18;
	v16 =	vadd.s32 s31, v10  }
0xde: {  	s29 =	simm.s32 $0x12080;
	[tilespmem:v17+s28+$0x0] =	vst.idx.msk $0xffff, v0  }
0xdf: {  	[tilespmem:v17+s29+$0x0] =	vst.idx.msk $0xffff, v1;
	v17 =	vadd.s32 s31, v11  }
0xe0: {  	[tilespmem:v61+s28+$0x0] =	vst.idx.msk $0xffff, v0  }
0xe1: {  	v62 =	vadd.s32 s31, v12;
	[tilespmem:v61+s29+$0x0] =	vst.idx.msk $0xffff, v1  }
0xe2: {  	[tilespmem:v16+s28+$0x0] =	vst.idx.msk $0xffff, v0  }
0xe3: {  	[tilespmem:v16+s29+$0x0] =	vst.idx.msk $0xffff, v1;
	v16 =	vadd.s32 s31, v13  }
0xe4: {  	[tilespmem:v17+s28+$0x0] =	vst.idx.msk $0xffff, v0  }
0xe5: {  	[tilespmem:v17+s29+$0x0] =	vst.idx.msk $0xffff, v1;
	v17 =	vadd.s32 s31, v14  }
0xe6: {  	s30 =	sadd.s32 $0x8000007F, s30;
	[tilespmem:v62+s28+$0x0] =	vst.idx.msk $0xffff, v0  }
0xe7: {  	v63 =	vadd.s32 s31, v15;
	s30 =	sshra.s32 s30, $0x7;
	[tilespmem:v62+s29+$0x0] =	vst.idx.msk $0xffff, v1  }
0xe8: {  	p0 =	slt.s32 s30, $0x1;
	[tilespmem:v16+s28+$0x0] =	vst.idx.msk $0xffff, v0  }
.Ltmp9:
0xe9: {  	[tilespmem:v16+s29+$0x0] =	vst.idx.msk $0xffff, v1;
	(pc) =	sbr.rel @p0 .LBB2_17-.Ltmp9, $4  }
0xea: {  	[tilespmem:v17+s28+$0x0] =	vst.idx.msk $0xffff, v0  }
0xeb: {  	[tilespmem:v17+s29+$0x0] =	vst.idx.msk $0xffff, v1  }
0xec: {  	[tilespmem:v63+s28+$0x0] =	vst.idx.msk $0xffff, v0  }
0xed: {  	[tilespmem:v63+s29+$0x0] =	vst.idx.msk $0xffff, v1  }
0xee: {  	[tilespmem:s23], [sflag:$0x1] =	stream.indirect.gather [hbm4b:s4+s22], $0x80, s29, s22, $0xb8;
	[tilespmem:$0x1E880] =	vst v63  }
0xef: {  	p0 =	sne.s32 s30, $0x1;
	_ =	swait.ge [sflag:s24], $0x4000  }
.Ltmp10:
0xf0: {  	[sflag:s24] =	ssyncset.done $0x0;
	(pc) =	sbr.rel @!p0 .LBB2_16-.Ltmp10, $4  }
0xf1: {  	[sflag:s24] =	ssyncadd.s32 $0xFFFFC000  }
0xf2: {  	[spmem:s1] =	stream.indirect.scatter.add.f32 [tilespmem:s23], [sflag:$0x2], $0x80, s28, s22, $0xb8;
	[tilespmem:$0x1E880] =	vst v63  }
0xf3: {  	_ =	swait.ge [sflag:s19], $0x4000  }
0xf4: {  	s30 =	sadd.s32 $0xFFFFFFFF, s30;
	[sflag:s19] =	ssyncset.done $0x0  }
.LBB2_15:
0xf5: {  	[sflag:s19] =	ssyncadd.s32 $0xFFFFC000;
	s29 =	sadd.s32 $0x80, s29;
	s28 =	sadd.s32 $0x80, s28  }
0xf6: {  	[tilespmem:s23], [sflag:$0x1] =	stream.indirect.gather [hbm4b:s4+s22], $0x80, s29, s22, $0xb8;
	[tilespmem:$0x1E880] =	vst v63  }
0xf7: {  	p0 =	sne.s32 s30, $0x1;
	s30 =	sadd.s32 $0xFFFFFFFF, s30;
	_ =	swait.ge [sflag:s24], $0x4000  }
.Ltmp11:
0xf8: {  	[sflag:s24] =	ssyncset.done $0x0;
	(pc) =	sbr.rel @p0 .LBB2_15-.Ltmp11, $4  }
0xf9: {  	[sflag:s24] =	ssyncadd.s32 $0xFFFFC000  }
0xfa: {  	[spmem:s1] =	stream.indirect.scatter.add.f32 [tilespmem:s23], [sflag:$0x2], $0x80, s28, s22, $0xb8;
	[tilespmem:$0x1E880] =	vst v63  }
0xfb: {  	_ =	swait.ge [sflag:s19], $0x4000  }
0xfc: {  	[sflag:s19] =	ssyncset.done $0x0  }
.LBB2_16:
0xfd: {  	[sflag:s19] =	ssyncadd.s32 $0xFFFFC000  }
.LBB2_17:
0xfe: {  	[bflag:$0x0] =	sbarrier.arrive $0xFFFF  }
0xff: {  	[hbm:s13], [sflag:s8] =	dma.local [spmem:s26], $0x2000  }
0x100: {  	_ =	swait.ge [sflag:s19], $0x2000  }
0x101: {  	[sflag:s19] =	ssyncset.done $0x0  }
0x102: {  	[sflag:s19] =	ssyncadd.s32 $0xFFFFE000  }
0x103: {  	[spmem:s26], [sflag:s8] =	dma.local [hbm:s14], $0x2000  }
0x104: {  	_ =	swait.ge [sflag:s19], $0x2000  }
0x105: {  	[sflag:s19] =	ssyncset.done $0x0  }
0x106: {  	[sflag:s19] =	ssyncadd.s32 $0xFFFFE000  }
0x107: {  	s28 =	simm.s32 $0x0;
	s29 =	simm.s32 $0x10080;
	[bflag:$0x0] =	sbarrier.arrive $0xFFFF  }
0x108: {  	[tilespmem:s29], [sflag:$0x2] =	stream.linear.gather [hbm4b:s9+s28], $0x2000, $0x38;
	[tilespmem:$0x1E880] =	vst v63  }
0x109: {  	_ =	swait.ge [sflag:s19], $0x2000  }
0x10a: {  	[sflag:s19] =	ssyncset.done $0x0  }
0x10b: {  	[sflag:s19] =	ssyncadd.s32 $0xFFFFE000  }
0x10c: {  	v18 =	vld [tilespmem:s29+$0x0]  }
0x10d: {  	v16 =	vimm.s32 $0x0;
	s30 =	simm.s32 $0x10;
	v17 =	vimm.s32 $0x0  }
.LBB2_18:
0x10e: {  	p0 =	sne.s32 s30, $0x1FF0;
	_ =	sdelay $0x2  }
0x10f: {  	v18 =	vsub.s32 v18, v4  }
0x110: {  	vm0 =	vlt.u32 v18, $0x2000  }
0x111: {  	v19 =	vsel vm0, $0x1, v7;
	v20 =	vmpcnt.ones.xlane vm0  }
0x112: {  	(xrf0) =	vadd.scan.msk.s32 $0xffff, v19  }
0x113: {  	v16 =	vadd.s32 v16, v20;
	_ =	sdelay $0x4  }
0x114: {  	v19, _, _ =	vpop (xrf0)  }
0x115: {  	v19 =	vadd.s32 v19, v17;
	v17 =	vmov v16  }
0x116: {  	v19 =	vadd.s32 $0xFFFFFFFF, v19;
	_ =	sdelay $0x2  }
0x117: {  	s31 =	sadd.s32 s5, s28;
	s28 =	smov.u32 s30  }
.Ltmp12:
0x118: {  	v20 =	vor.u32 s31, v6;
	(pc) =	sbr.rel @p0 .LBB2_18-.Ltmp12, $4  }
0x119: {  	[tilespmem:v19+s20+$0x0] =	vst.idx.msk vm0, v20  }
0x11a: {  	s29 =	sadd.s32 $0x10, s29;
	[tilespmem:v19+s21+$0x0] =	vst.idx.msk vm0, v18  }
0x11b: {  	v18 =	vld [tilespmem:s29+$0x0]  }
0x11c: {  	s30 =	sadd.s32 $0x10, s30  }
0x11d: {  	_ =	sdelay $0x2  }
0x11e: {  	v18 =	vsub.s32 v18, v4  }
0x11f: {  	vm0 =	vlt.u32 v18, $0x2000  }
0x120: {  	v19 =	vsel vm0, $0x1, v7  }
0x121: {  	(xrf0) =	vadd.scan.msk.s32 $0xffff, v19;
	_ =	sdelay $0x5  }
0x122: {  	v19, _, _ =	vpop (xrf0)  }
0x123: {  	v17 =	vadd.s32 v19, v17  }
0x124: {  	v17 =	vadd.s32 $0xFFFFFFFF, v17;
	_ =	sdelay $0x2  }
0x125: {  	s28 =	sadd.s32 s5, s28  }
0x126: {  	v19 =	vor.u32 s28, v6  }
0x127: {  	[tilespmem:v17+s20+$0x0] =	vst.idx.msk vm0, v19  }
0x128: {  	s29 =	simm.s32 $0x10080;
	s28 =	simm.s32 $0x0;
	[tilespmem:v17+s21+$0x0] =	vst.idx.msk vm0, v18  }
0x129: {  	[tilespmem:s29], [sflag:$0x2] =	stream.linear.gather [hbm4b:s10+s28], $0x2000, $0x38;
	[tilespmem:$0x1E880] =	vst v63  }
0x12a: {  	_ =	swait.ge [sflag:s19], $0x2000  }
0x12b: {  	v17 =	vmpcnt.ones.xlane vm0;
	[sflag:s19] =	ssyncset.done $0x0  }
0x12c: {  	[sflag:s19] =	ssyncadd.s32 $0xFFFFE000  }
0x12d: {  	v17 =	vadd.s32 v16, v17;
	v18 =	vld [tilespmem:s29+$0x0]  }
0x12e: {  	s30 =	simm.s32 $0x10;
	v16 =	vmov v17  }
.LBB2_20:
0x12f: {  	p0 =	sne.s32 s30, $0x1FF0;
	_ =	sdelay $0x2  }
0x130: {  	v18 =	vsub.s32 v18, v4  }
0x131: {  	vm0 =	vlt.u32 v18, $0x2000  }
0x132: {  	v19 =	vsel vm0, $0x1, v7;
	v20 =	vmpcnt.ones.xlane vm0  }
0x133: {  	(xrf0) =	vadd.scan.msk.s32 $0xffff, v19  }
0x134: {  	v17 =	vadd.s32 v17, v20;
	_ =	sdelay $0x4  }
0x135: {  	v19, _, _ =	vpop (xrf0)  }
0x136: {  	v19 =	vadd.s32 v19, v16;
	v16 =	vmov v17  }
0x137: {  	v19 =	vadd.s32 $0xFFFFFFFF, v19;
	_ =	sdelay $0x2  }
0x138: {  	s31 =	sor.u32 s5, s28;
	s28 =	smov.u32 s30  }
.Ltmp13:
0x139: {  	v20 =	vor.u32 s31, v8;
	(pc) =	sbr.rel @p0 .LBB2_20-.Ltmp13, $4  }
0x13a: {  	[tilespmem:v19+s20+$0x0] =	vst.idx.msk vm0, v20  }
0x13b: {  	s29 =	sadd.s32 $0x10, s29;
	[tilespmem:v19+s21+$0x0] =	vst.idx.msk vm0, v18  }
0x13c: {  	v18 =	vld [tilespmem:s29+$0x0]  }
0x13d: {  	s30 =	sadd.s32 $0x10, s30  }
0x13e: {  	_ =	sdelay $0x2  }
0x13f: {  	v18 =	vsub.s32 v18, v4  }
0x140: {  	vm0 =	vlt.u32 v18, $0x2000  }
0x141: {  	v19 =	vmpcnt.ones.xlane vm0;
	_ =	sdelay $0x1  }
0x142: {  	v20 =	vsel vm0, $0x1, v7;
	v17 =	vadd.s32 v17, v19  }
0x143: {  	(xrf0) =	vadd.scan.msk.s32 $0xffff, v20;
	v17 =	vxor.u32 $0x80000000, v17  }
0x144: {  	(xrf0) =	vmax.scan.msk.u32 $0xffff, v17;
	_ =	sdelay $0x4  }
0x145: {  	v17, _, _ =	vpop (xrf0)  }
0x146: {  	v59, _, _ =	vpop (xrf0)  }
0x147: {  	(v2sf) =	vpush v59, $0xF;
	_ =	sdelay $0xd  }
0x148: {  	v16 =	vadd.s32 v17, v16  }
0x149: {  	v16 =	vadd.s32 $0xFFFFFFFF, v16;
	s30 =	spop (v2sf)  }
0x14a: {  	s31 =	sxor.u32 $0x80000000, s30  }
0x14b: {  	v17 =	vadd.s32 s31, v6  }
0x14c: {  	s28 =	sor.u32 s5, s28  }
0x14d: {  	v60 =	vor.u32 s28, v8;
	v61 =	vadd.s32 s31, v9  }
0x14e: {  	[tilespmem:v16+s20+$0x0] =	vst.idx.msk vm0, v60  }
0x14f: {  	s28 =	simm.s32 $0x16480;
	[tilespmem:v16+s21+$0x0] =	vst.idx.msk vm0, v18;
	v16 =	vadd.s32 s31, v10  }
0x150: {  	s29 =	simm.s32 $0x12080;
	[tilespmem:v17+s28+$0x0] =	vst.idx.msk $0xffff, v0  }
0x151: {  	[tilespmem:v17+s29+$0x0] =	vst.idx.msk $0xffff, v1;
	v17 =	vadd.s32 s31, v11  }
0x152: {  	[tilespmem:v61+s28+$0x0] =	vst.idx.msk $0xffff, v0  }
0x153: {  	v62 =	vadd.s32 s31, v12;
	[tilespmem:v61+s29+$0x0] =	vst.idx.msk $0xffff, v1  }
0x154: {  	[tilespmem:v16+s28+$0x0] =	vst.idx.msk $0xffff, v0  }
0x155: {  	[tilespmem:v16+s29+$0x0] =	vst.idx.msk $0xffff, v1;
	v16 =	vadd.s32 s31, v13  }
0x156: {  	[tilespmem:v17+s28+$0x0] =	vst.idx.msk $0xffff, v0  }
0x157: {  	[tilespmem:v17+s29+$0x0] =	vst.idx.msk $0xffff, v1;
	v17 =	vadd.s32 s31, v14  }
0x158: {  	s30 =	sadd.s32 $0x8000007F, s30;
	[tilespmem:v62+s28+$0x0] =	vst.idx.msk $0xffff, v0  }
0x159: {  	v63 =	vadd.s32 s31, v15;
	s30 =	sshra.s32 s30, $0x7;
	[tilespmem:v62+s29+$0x0] =	vst.idx.msk $0xffff, v1  }
0x15a: {  	p0 =	slt.s32 s30, $0x1;
	[tilespmem:v16+s28+$0x0] =	vst.idx.msk $0xffff, v0  }
.Ltmp14:
0x15b: {  	[tilespmem:v16+s29+$0x0] =	vst.idx.msk $0xffff, v1;
	(pc) =	sbr.rel @p0 .LBB2_25-.Ltmp14, $4  }
0x15c: {  	[tilespmem:v17+s28+$0x0] =	vst.idx.msk $0xffff, v0  }
0x15d: {  	[tilespmem:v17+s29+$0x0] =	vst.idx.msk $0xffff, v1  }
0x15e: {  	[tilespmem:v63+s28+$0x0] =	vst.idx.msk $0xffff, v0  }
0x15f: {  	[tilespmem:v63+s29+$0x0] =	vst.idx.msk $0xffff, v1  }
0x160: {  	[tilespmem:s23], [sflag:$0x1] =	stream.indirect.gather [hbm4b:s4+s22], $0x80, s29, s22, $0xb8;
	[tilespmem:$0x1E880] =	vst v63  }
0x161: {  	p0 =	sne.s32 s30, $0x1;
	_ =	swait.ge [sflag:s24], $0x4000  }
.Ltmp15:
0x162: {  	[sflag:s24] =	ssyncset.done $0x0;
	(pc) =	sbr.rel @!p0 .LBB2_24-.Ltmp15, $4  }
0x163: {  	[sflag:s24] =	ssyncadd.s32 $0xFFFFC000  }
0x164: {  	[spmem:s1] =	stream.indirect.scatter.add.f32 [tilespmem:s23], [sflag:$0x2], $0x80, s28, s22, $0xb8;
	[tilespmem:$0x1E880] =	vst v63  }
0x165: {  	_ =	swait.ge [sflag:s19], $0x4000  }
0x166: {  	s30 =	sadd.s32 $0xFFFFFFFF, s30;
	[sflag:s19] =	ssyncset.done $0x0  }
.LBB2_23:
0x167: {  	[sflag:s19] =	ssyncadd.s32 $0xFFFFC000;
	s29 =	sadd.s32 $0x80, s29;
	s28 =	sadd.s32 $0x80, s28  }
0x168: {  	[tilespmem:s23], [sflag:$0x1] =	stream.indirect.gather [hbm4b:s4+s22], $0x80, s29, s22, $0xb8;
	[tilespmem:$0x1E880] =	vst v63  }
0x169: {  	p0 =	sne.s32 s30, $0x1;
	s30 =	sadd.s32 $0xFFFFFFFF, s30;
	_ =	swait.ge [sflag:s24], $0x4000  }
.Ltmp16:
0x16a: {  	[sflag:s24] =	ssyncset.done $0x0;
	(pc) =	sbr.rel @p0 .LBB2_23-.Ltmp16, $4  }
0x16b: {  	[sflag:s24] =	ssyncadd.s32 $0xFFFFC000  }
0x16c: {  	[spmem:s1] =	stream.indirect.scatter.add.f32 [tilespmem:s23], [sflag:$0x2], $0x80, s28, s22, $0xb8;
	[tilespmem:$0x1E880] =	vst v63  }
0x16d: {  	_ =	swait.ge [sflag:s19], $0x4000  }
0x16e: {  	[sflag:s19] =	ssyncset.done $0x0  }
.LBB2_24:
0x16f: {  	[sflag:s19] =	ssyncadd.s32 $0xFFFFC000  }
.LBB2_25:
0x170: {  	[bflag:$0x0] =	sbarrier.arrive $0xFFFF  }
0x171: {  	[hbm:s15], [sflag:s8] =	dma.local [spmem:s26], $0x2000  }
0x172: {  	_ =	swait.ge [sflag:s19], $0x2000  }
0x173: {  	[sflag:s19] =	ssyncset.done $0x0  }
0x174: {  	[sflag:s19] =	ssyncadd.s32 $0xFFFFE000  }
0x175: {  	[spmem:s26], [sflag:s8] =	dma.local [hbm:s16], $0x2000  }
0x176: {  	_ =	swait.ge [sflag:s19], $0x2000  }
0x177: {  	[sflag:s19] =	ssyncset.done $0x0  }
0x178: {  	[sflag:s19] =	ssyncadd.s32 $0xFFFFE000  }
0x179: {  	s28 =	simm.s32 $0x0;
	s29 =	simm.s32 $0x10080;
	[bflag:$0x0] =	sbarrier.arrive $0xFFFF  }
0x17a: {  	[tilespmem:s29], [sflag:$0x2] =	stream.linear.gather [hbm4b:s9+s28], $0x2000, $0x38;
	[tilespmem:$0x1E880] =	vst v63  }
0x17b: {  	_ =	swait.ge [sflag:s19], $0x2000  }
0x17c: {  	[sflag:s19] =	ssyncset.done $0x0  }
0x17d: {  	[sflag:s19] =	ssyncadd.s32 $0xFFFFE000  }
0x17e: {  	v18 =	vld [tilespmem:s29+$0x0]  }
0x17f: {  	v16 =	vimm.s32 $0x0;
	s30 =	simm.s32 $0x10;
	v17 =	vimm.s32 $0x0  }
.LBB2_26:
0x180: {  	p0 =	sne.s32 s30, $0x1FF0;
	_ =	sdelay $0x2  }
0x181: {  	v18 =	vsub.s32 v18, v5  }
0x182: {  	vm0 =	vlt.u32 v18, $0x2000  }
0x183: {  	v19 =	vsel vm0, $0x1, v7;
	v20 =	vmpcnt.ones.xlane vm0  }
0x184: {  	(xrf0) =	vadd.scan.msk.s32 $0xffff, v19  }
0x185: {  	v16 =	vadd.s32 v16, v20;
	_ =	sdelay $0x4  }
0x186: {  	v19, _, _ =	vpop (xrf0)  }
0x187: {  	v19 =	vadd.s32 v19, v17;
	v17 =	vmov v16  }
0x188: {  	v19 =	vadd.s32 $0xFFFFFFFF, v19;
	_ =	sdelay $0x2  }
0x189: {  	s31 =	sadd.s32 s5, s28;
	s28 =	smov.u32 s30  }
.Ltmp17:
0x18a: {  	v20 =	vor.u32 s31, v6;
	(pc) =	sbr.rel @p0 .LBB2_26-.Ltmp17, $4  }
0x18b: {  	[tilespmem:v19+s20+$0x0] =	vst.idx.msk vm0, v20  }
0x18c: {  	s29 =	sadd.s32 $0x10, s29;
	[tilespmem:v19+s21+$0x0] =	vst.idx.msk vm0, v18  }
0x18d: {  	v18 =	vld [tilespmem:s29+$0x0]  }
0x18e: {  	s30 =	sadd.s32 $0x10, s30  }
0x18f: {  	_ =	sdelay $0x2  }
0x190: {  	v18 =	vsub.s32 v18, v5  }
0x191: {  	vm0 =	vlt.u32 v18, $0x2000  }
0x192: {  	v19 =	vsel vm0, $0x1, v7  }
0x193: {  	(xrf0) =	vadd.scan.msk.s32 $0xffff, v19;
	_ =	sdelay $0x5  }
0x194: {  	v19, _, _ =	vpop (xrf0)  }
0x195: {  	v17 =	vadd.s32 v19, v17  }
0x196: {  	v17 =	vadd.s32 $0xFFFFFFFF, v17;
	_ =	sdelay $0x2  }
0x197: {  	s28 =	sadd.s32 s5, s28  }
0x198: {  	v19 =	vor.u32 s28, v6  }
0x199: {  	[tilespmem:v17+s20+$0x0] =	vst.idx.msk vm0, v19  }
0x19a: {  	s29 =	simm.s32 $0x10080;
	s28 =	simm.s32 $0x0;
	[tilespmem:v17+s21+$0x0] =	vst.idx.msk vm0, v18  }
0x19b: {  	[tilespmem:s29], [sflag:$0x2] =	stream.linear.gather [hbm4b:s10+s28], $0x2000, $0x38;
	[tilespmem:$0x1E880] =	vst v63  }
0x19c: {  	_ =	swait.ge [sflag:s19], $0x2000  }
0x19d: {  	v17 =	vmpcnt.ones.xlane vm0;
	[sflag:s19] =	ssyncset.done $0x0  }
0x19e: {  	[sflag:s19] =	ssyncadd.s32 $0xFFFFE000  }
0x19f: {  	v17 =	vadd.s32 v16, v17;
	v18 =	vld [tilespmem:s29+$0x0]  }
0x1a0: {  	s30 =	simm.s32 $0x10;
	v16 =	vmov v17  }
.LBB2_28:
0x1a1: {  	p0 =	sne.s32 s30, $0x1FF0;
	_ =	sdelay $0x2  }
0x1a2: {  	v18 =	vsub.s32 v18, v5  }
0x1a3: {  	vm0 =	vlt.u32 v18, $0x2000  }
0x1a4: {  	v19 =	vsel vm0, $0x1, v7;
	v20 =	vmpcnt.ones.xlane vm0  }
0x1a5: {  	(xrf0) =	vadd.scan.msk.s32 $0xffff, v19  }
0x1a6: {  	v17 =	vadd.s32 v17, v20;
	_ =	sdelay $0x4  }
0x1a7: {  	v19, _, _ =	vpop (xrf0)  }
0x1a8: {  	v19 =	vadd.s32 v19, v16;
	v16 =	vmov v17  }
0x1a9: {  	v19 =	vadd.s32 $0xFFFFFFFF, v19;
	_ =	sdelay $0x2  }
0x1aa: {  	s31 =	sor.u32 s5, s28;
	s28 =	smov.u32 s30  }
.Ltmp18:
0x1ab: {  	v20 =	vor.u32 s31, v8;
	(pc) =	sbr.rel @p0 .LBB2_28-.Ltmp18, $4  }
0x1ac: {  	[tilespmem:v19+s20+$0x0] =	vst.idx.msk vm0, v20  }
0x1ad: {  	s29 =	sadd.s32 $0x10, s29;
	[tilespmem:v19+s21+$0x0] =	vst.idx.msk vm0, v18  }
0x1ae: {  	v18 =	vld [tilespmem:s29+$0x0]  }
0x1af: {  	s30 =	sadd.s32 $0x10, s30  }
0x1b0: {  	_ =	sdelay $0x2  }
0x1b1: {  	v18 =	vsub.s32 v18, v5  }
0x1b2: {  	vm0 =	vlt.u32 v18, $0x2000  }
0x1b3: {  	v19 =	vmpcnt.ones.xlane vm0;
	_ =	sdelay $0x1  }
0x1b4: {  	v20 =	vsel vm0, $0x1, v7;
	v17 =	vadd.s32 v17, v19  }
0x1b5: {  	(xrf0) =	vadd.scan.msk.s32 $0xffff, v20;
	v17 =	vxor.u32 $0x80000000, v17  }
0x1b6: {  	(xrf0) =	vmax.scan.msk.u32 $0xffff, v17;
	_ =	sdelay $0x4  }
0x1b7: {  	v17, _, _ =	vpop (xrf0)  }
0x1b8: {  	v59, _, _ =	vpop (xrf0)  }
0x1b9: {  	(v2sf) =	vpush v59, $0xF;
	_ =	sdelay $0xd  }
0x1ba: {  	v16 =	vadd.s32 v17, v16  }
0x1bb: {  	v16 =	vadd.s32 $0xFFFFFFFF, v16;
	s30 =	spop (v2sf)  }
0x1bc: {  	s31 =	sxor.u32 $0x80000000, s30  }
0x1bd: {  	v17 =	vadd.s32 s31, v6  }
0x1be: {  	s28 =	sor.u32 s5, s28  }
0x1bf: {  	v60 =	vor.u32 s28, v8;
	v61 =	vadd.s32 s31, v9  }
0x1c0: {  	[tilespmem:v16+s20+$0x0] =	vst.idx.msk vm0, v60  }
0x1c1: {  	s28 =	simm.s32 $0x16480;
	[tilespmem:v16+s21+$0x0] =	vst.idx.msk vm0, v18;
	v16 =	vadd.s32 s31, v10  }
0x1c2: {  	s29 =	simm.s32 $0x12080;
	[tilespmem:v17+s28+$0x0] =	vst.idx.msk $0xffff, v0  }
0x1c3: {  	[tilespmem:v17+s29+$0x0] =	vst.idx.msk $0xffff, v1;
	v17 =	vadd.s32 s31, v11  }
0x1c4: {  	[tilespmem:v61+s28+$0x0] =	vst.idx.msk $0xffff, v0  }
0x1c5: {  	v62 =	vadd.s32 s31, v12;
	[tilespmem:v61+s29+$0x0] =	vst.idx.msk $0xffff, v1  }
0x1c6: {  	[tilespmem:v16+s28+$0x0] =	vst.idx.msk $0xffff, v0  }
0x1c7: {  	[tilespmem:v16+s29+$0x0] =	vst.idx.msk $0xffff, v1;
	v16 =	vadd.s32 s31, v13  }
0x1c8: {  	[tilespmem:v17+s28+$0x0] =	vst.idx.msk $0xffff, v0  }
0x1c9: {  	[tilespmem:v17+s29+$0x0] =	vst.idx.msk $0xffff, v1;
	v17 =	vadd.s32 s31, v14  }
0x1ca: {  	s30 =	sadd.s32 $0x8000007F, s30;
	[tilespmem:v62+s28+$0x0] =	vst.idx.msk $0xffff, v0  }
0x1cb: {  	v63 =	vadd.s32 s31, v15;
	s30 =	sshra.s32 s30, $0x7;
	[tilespmem:v62+s29+$0x0] =	vst.idx.msk $0xffff, v1  }
0x1cc: {  	p0 =	slt.s32 s30, $0x1;
	[tilespmem:v16+s28+$0x0] =	vst.idx.msk $0xffff, v0  }
.Ltmp19:
0x1cd: {  	[tilespmem:v16+s29+$0x0] =	vst.idx.msk $0xffff, v1;
	(pc) =	sbr.rel @p0 .LBB2_33-.Ltmp19, $4  }
0x1ce: {  	[tilespmem:v17+s28+$0x0] =	vst.idx.msk $0xffff, v0  }
0x1cf: {  	[tilespmem:v17+s29+$0x0] =	vst.idx.msk $0xffff, v1  }
0x1d0: {  	[tilespmem:v63+s28+$0x0] =	vst.idx.msk $0xffff, v0  }
0x1d1: {  	[tilespmem:v63+s29+$0x0] =	vst.idx.msk $0xffff, v1  }
0x1d2: {  	[tilespmem:s23], [sflag:$0x1] =	stream.indirect.gather [hbm4b:s4+s22], $0x80, s29, s22, $0xb8;
	[tilespmem:$0x1E880] =	vst v63  }
0x1d3: {  	p0 =	sne.s32 s30, $0x1;
	_ =	swait.ge [sflag:s24], $0x4000  }
.Ltmp20:
0x1d4: {  	[sflag:s24] =	ssyncset.done $0x0;
	(pc) =	sbr.rel @!p0 .LBB2_32-.Ltmp20, $4  }
0x1d5: {  	[sflag:s24] =	ssyncadd.s32 $0xFFFFC000  }
0x1d6: {  	[spmem:s1] =	stream.indirect.scatter.add.f32 [tilespmem:s23], [sflag:$0x2], $0x80, s28, s22, $0xb8;
	[tilespmem:$0x1E880] =	vst v63  }
0x1d7: {  	_ =	swait.ge [sflag:s19], $0x4000  }
0x1d8: {  	s30 =	sadd.s32 $0xFFFFFFFF, s30;
	[sflag:s19] =	ssyncset.done $0x0  }
.LBB2_31:
0x1d9: {  	[sflag:s19] =	ssyncadd.s32 $0xFFFFC000;
	s29 =	sadd.s32 $0x80, s29;
	s28 =	sadd.s32 $0x80, s28  }
0x1da: {  	[tilespmem:s23], [sflag:$0x1] =	stream.indirect.gather [hbm4b:s4+s22], $0x80, s29, s22, $0xb8;
	[tilespmem:$0x1E880] =	vst v63  }
0x1db: {  	p0 =	sne.s32 s30, $0x1;
	s30 =	sadd.s32 $0xFFFFFFFF, s30;
	_ =	swait.ge [sflag:s24], $0x4000  }
.Ltmp21:
0x1dc: {  	[sflag:s24] =	ssyncset.done $0x0;
	(pc) =	sbr.rel @p0 .LBB2_31-.Ltmp21, $4  }
0x1dd: {  	[sflag:s24] =	ssyncadd.s32 $0xFFFFC000  }
0x1de: {  	[spmem:s1] =	stream.indirect.scatter.add.f32 [tilespmem:s23], [sflag:$0x2], $0x80, s28, s22, $0xb8;
	[tilespmem:$0x1E880] =	vst v63  }
0x1df: {  	_ =	swait.ge [sflag:s19], $0x4000  }
0x1e0: {  	[sflag:s19] =	ssyncset.done $0x0  }
.Ltmp22:
0x1e1: {  	_ = 	snop;
	(pc) =	sbr.rel .LBB2_32-.Ltmp22, $1  }
0x1e2: {  	_ =	sdelay $0x3  }
.LBB2_34:
0x1e3: {  	_ =	sfence.sel $0x180000  }
0x1e4: {  	[bflag:$0x0] =	sbarrier.arrive $0xFFFF  }
0x1e5: {  	p0 =	sne.s32 s3, $0x0;
	_ =	strace $0x90000047  }
0x1e6: {  	s0 =	sadd.s32 @!p0 $0x100000, s0;
	[bflag:$0x2] =	sbarrier.arrive $0xFFFF  }
0x1e7: {  	[sflag:s0] =	ssyncadd.tile.s32 @!p0 $0x1;
	_ =	shalt  }
.Lfunc_end2:
_tile_overlayer_lowered:
.L_overlay_start_2:
0x1e8: {  	(tag) =	ssettag $0x2  }
0x1e9: {  	s0 =	rddreg [dreg:$0x0];
	s2 =	stileid.u32  }
0x1ea: {  	s1 =	rddreg [dreg:$0x1];
	p0 =	sne.s32 s2, $0x0  }
0x1eb: {  	s3 =	rddreg [dreg:$0x2];
	[bflag:$0x3] =	sbarrier.arrive $0xFFFF;
	s2 =	simm.s32 @!p0 $0x1C02  }
0x1ec: {  	[timem:s3], [sflag:s2] =	dma.local @!p0 [hbm:s0], s1  }
0x1ed: {  	s0 =	simm.s32 @!p0 $0x2  }
0x1ee: {  	_ =	swait.ge @!p0 [sflag:s0], s1  }
0x1ef: {  	s1 =	ssub.s32 @!p0 $0x0, s1;
	[sflag:s0] =	ssyncset.done @!p0 $0x0  }
0x1f0: {  	[sflag:s0] =	ssyncadd.s32 @!p0 s1  }
0x1f1: {  	[bflag:$0x3] =	sbarrier.arrive $0xFFFF  }
0x1f2: {  	_ =	shalt  }

</sc_bundles>
